<compile_context>
chip_gen: v7x
topology: tpu7x:2x2x1
jax: 0.10.2.dev20260603
libtpu: 0.0.44.dev20260713+nightly
codegen_flags: <defaults>
</compile_context>

<pallas_src>
import functools

import jax
import jax.numpy as jnp
from jax import lax
from jax.experimental import pallas as pl
from jax.experimental.pallas import tpu as pltpu
from jax.experimental.pallas import tpu_sc as plsc

N = 10000
E = 320000
D = 128
ED = 16
A = 32
B = 8

NC = 2
NS = 16
NW = NC * NS
C = 128
NCH = 79
EPW = NCH * C
EP = NW * EPW
N2 = N + 8
RPT8 = 632
RLAST = N2 - (NS - 1) * RPT8
EBLK = 5056


def _edge_mlp(edge_attr, w1, b1, w2, b2):

    def body(a_ref, w1_ref, b1_ref, w2_ref, b2_ref, e1_ref, e2_ref):
        a = a_ref[...]
        e1_ref[...] = (
            jnp.dot(a, w1_ref[...], preferred_element_type=jnp.float32) + b1_ref[...]
        )
        e2_ref[...] = (
            jnp.dot(a, w2_ref[...], preferred_element_type=jnp.float32) + b2_ref[...]
        )

    return pl.pallas_call(
        body,
        grid=(EP // EBLK,),
        in_specs=[
            pl.BlockSpec((EBLK, ED), lambda i: (i, 0)),
            pl.BlockSpec((ED, D), lambda i: (0, 0)),
            pl.BlockSpec((1, D), lambda i: (0, 0)),
            pl.BlockSpec((ED, D), lambda i: (0, 0)),
            pl.BlockSpec((1, D), lambda i: (0, 0)),
        ],
        out_specs=[
            pl.BlockSpec((EBLK, D), lambda i: (i, 0)),
            pl.BlockSpec((EBLK, D), lambda i: (i, 0)),
        ],
        out_shape=[
            jax.ShapeDtypeStruct((EP, D), jnp.float32),
            jax.ShapeDtypeStruct((EP, D), jnp.float32),
        ],
    )(edge_attr, w1, b1.reshape(1, D), w2, b2.reshape(1, D))


def _sc_conv(x, e, srcp, dstp):
    mesh = plsc.VectorSubcoreMesh(core_axis_name="c", subcore_axis_name="s")

    @functools.partial(
        pl.kernel,
        out_type=jax.ShapeDtypeStruct((NC, N2, D), jnp.float32),
        mesh=mesh,
        scratch_types=[
            pltpu.VMEM((NCH, C), jnp.int32),
            pltpu.VMEM((NCH, C), jnp.int32),
            pltpu.VMEM((C, D), jnp.float32),
            pltpu.VMEM_SHARED((N2, D), jnp.float32),
        ],
    )
    def conv(x_hbm, e_hbm, src_hbm, dst_hbm, out_hbm, srcb, dstb, ebuf, accum):
        cid = lax.axis_index("c")
        sid = lax.axis_index("s")
        wid = cid * NS + sid

        def zbody(r, _):
            for cc in range(D // 16):
                ebuf[r, pl.ds(cc * 16, 16)] = jnp.zeros((16,), jnp.float32)
            return 0

        lax.fori_loop(0, C, zbody, 0)

        @pl.when(sid < NS - 1)
        def _zero_main():
            r0 = sid * RPT8
            for k in range(RPT8 // C):
                pltpu.sync_copy(ebuf, accum.at[pl.ds(r0 + k * C, C)])
            rem = RPT8 - (RPT8 // C) * C
            pltpu.sync_copy(
                ebuf.at[pl.ds(0, rem)],
                accum.at[pl.ds(r0 + (RPT8 // C) * C, rem)],
            )

        @pl.when(sid == NS - 1)
        def _zero_last():
            r0 = (NS - 1) * RPT8
            for k in range(RLAST // C):
                pltpu.sync_copy(ebuf, accum.at[pl.ds(r0 + k * C, C)])
            rem = RLAST - (RLAST // C) * C
            pltpu.sync_copy(
                ebuf.at[pl.ds(0, rem)],
                accum.at[pl.ds(r0 + (RLAST // C) * C, rem)],
            )

        pltpu.sync_copy(src_hbm.at[wid], srcb)
        pltpu.sync_copy(dst_hbm.at[wid], dstb)
        plsc.subcore_barrier()

        ebase = wid * EPW

        def chunk_body(g, _):
            pltpu.sync_copy(e_hbm.at[pl.ds(ebase + g * C, C)], ebuf)
            pltpu.sync_copy(x_hbm.at[srcb.at[g]], ebuf, add=True)

            def rbody(r, _):
                for cc in range(D // 16):
                    sl = pl.ds(cc * 16, 16)
                    ebuf[r, sl] = jnp.maximum(ebuf[r, sl], 0.0)
                return 0

            lax.fori_loop(0, C, rbody, 0)
            pltpu.sync_copy(ebuf, accum.at[dstb.at[g]], add=True)
            return 0

        lax.fori_loop(0, NCH, chunk_body, 0)

        plsc.subcore_barrier()

        @pl.when(sid < NS - 1)
        def _dump_main():
            r0 = sid * RPT8
            pltpu.sync_copy(
                accum.at[pl.ds(r0, RPT8)], out_hbm.at[cid, pl.ds(r0, RPT8)]
            )

        @pl.when(sid == NS - 1)
        def _dump_last():
            r0 = (NS - 1) * RPT8
            pltpu.sync_copy(
                accum.at[pl.ds(r0, RLAST)], out_hbm.at[cid, pl.ds(r0, RLAST)]
            )

    return conv(x, e, srcp, dstp)


def _node_mlp(x, p, w, b, g, be):

    def body(x_ref, p_ref, w_ref, b_ref, g_ref, be_ref, o_ref):
        agg = p_ref[0, 0:N, :] + p_ref[1, 0:N, :]
        t = x_ref[...] + agg
        z = jnp.dot(t, w_ref[...], preferred_element_type=jnp.float32) + b_ref[...]
        mu = jnp.mean(z, axis=0, keepdims=True)
        var = jnp.mean((z - mu) ** 2, axis=0, keepdims=True)
        zn = (z - mu) / jnp.sqrt(var + 1e-5) * g_ref[...] + be_ref[...]
        o_ref[...] = jnp.maximum(zn, 0.0)

    return pl.pallas_call(
        body,
        out_shape=jax.ShapeDtypeStruct((N, D), jnp.float32),
    )(x, p, w, b.reshape(1, D), g.reshape(1, D), be.reshape(1, D))


def _tail(h, p2, w2, b2, g2, be2, wa1, ba1, ga1, bea1, wa2, ba2, ga2, bea2,
          wa3, ba3):

    def bn(u, gg, bb):
        m = jnp.mean(u, axis=0, keepdims=True)
        v = jnp.mean((u - m) ** 2, axis=0, keepdims=True)
        return (u - m) / jnp.sqrt(v + 1e-5) * gg + bb

    def body(h_ref, p_ref, w2_ref, b2_ref, g2_ref, be2_ref, wa1_ref, ba1_ref,
             ga1_ref, bea1_ref, wa2_ref, ba2_ref, ga2_ref, bea2_ref, wa3_ref,
             ba3_ref, o_ref):
        t = h_ref[...] + p_ref[0, 0:N, :] + p_ref[1, 0:N, :]
        z = jnp.dot(t, w2_ref[...], preferred_element_type=jnp.float32) + b2_ref[...]
        zn = bn(z, g2_ref[...], be2_ref[...])
        h2 = jax.nn.sigmoid(jnp.maximum(zn, 0.0))
        pooled = jnp.mean(h2.reshape(B, N // B, D), axis=1)
        a = jnp.maximum(
            bn(jnp.dot(pooled, wa1_ref[...], preferred_element_type=jnp.float32)
               + ba1_ref[...], ga1_ref[...], bea1_ref[...]), 0.0)
        a = jnp.maximum(
            bn(jnp.dot(a, wa2_ref[...], preferred_element_type=jnp.float32)
               + ba2_ref[...], ga2_ref[...], bea2_ref[...]), 0.0)
        o_ref[...] = jax.nn.sigmoid(
            jnp.dot(a, wa3_ref[...], preferred_element_type=jnp.float32)
            + ba3_ref[...])

    return pl.pallas_call(
        body,
        out_shape=jax.ShapeDtypeStruct((B, A), jnp.float32),
    )(h, p2, w2, b2.reshape(1, D), g2.reshape(1, D), be2.reshape(1, D),
      wa1, ba1.reshape(1, D), ga1.reshape(1, D), bea1.reshape(1, D),
      wa2, ba2.reshape(1, D), ga2.reshape(1, D), bea2.reshape(1, D),
      wa3, ba3.reshape(1, A))


def kernel(x, edge_index, edge_attr, batch, lin_e1_W, lin_e1_b, W1, b1, g1, be1,
           lin_e2_W, lin_e2_b, W2, b2, g2, be2, Wa1, ba1, ga1, bea1, Wa2, ba2,
           ga2, bea2, Wa3, ba3):
    del batch
    pad = EP - E
    pad_src = jnp.arange(pad, dtype=jnp.int32) % N
    pad_dst = N + (jnp.arange(pad, dtype=jnp.int32) % (N2 - N))
    srcp = jnp.concatenate(
        [edge_index[0].astype(jnp.int32), pad_src]
    ).reshape(NW, NCH, C)
    dstp = jnp.concatenate(
        [edge_index[1].astype(jnp.int32), pad_dst]
    ).reshape(NW, NCH, C)
    attr_p = jnp.concatenate(
        [edge_attr, jnp.zeros((pad, ED), jnp.float32)], axis=0
    )
    e1, e2 = _edge_mlp(attr_p, lin_e1_W, lin_e1_b, lin_e2_W, lin_e2_b)
    p1 = _sc_conv(x, e1, srcp, dstp)
    h = _node_mlp(x, p1, W1, b1, g1, be1)
    p2 = _sc_conv(h, e2, srcp, dstp)
    return _tail(h, p2, W2, b2, g2, be2, Wa1, ba1, ga1, bea1, Wa2, ba2, ga2,
                 bea2, Wa3, ba3)

# --- scband reference (transcript-rebuilt; emitter-appended) ---
"""Pipeline reference for scband-action-model-74397423501380 (READ-ONLY COPY).

The authoritative reference and input builder live on the scoring server;
editing this copy changes nothing except your own understanding.
"""

import jax, jax.numpy as jnp
import numpy as np

N = 10000
E = 320000
D = 128
H = 128
ED = 16
A = 32
B = 8


def setup_inputs(seed: int = 0) -> dict:
    key = jax.random.key(seed)
    ks = jax.random.split(key, 20)
    inp = {}
    inp["x"] = jax.random.normal(ks[0], (N, D), dtype=jnp.float32)
    inp["edge_index"] = jax.random.randint(ks[1], (2, E), 0, N)
    inp["edge_attr"] = jax.random.normal(ks[2], (E, ED), dtype=jnp.float32)
    # batch assignment: B equal-sized graphs (torch.stack in the original requires equal graph sizes)
    inp["batch"] = jnp.repeat(jnp.arange(B), N // B)
    s = 0.05
    # conv1 (GINEConv): edge lin ED->D, nn Linear D->H + BN
    inp["lin_e1_W"] = s * jax.random.normal(ks[3], (ED, D), dtype=jnp.float32)
    inp["lin_e1_b"] = jnp.zeros((D,), jnp.float32)
    inp["W1"] = s * jax.random.normal(ks[4], (D, H), dtype=jnp.float32)
    inp["b1"] = jnp.zeros((H,), jnp.float32)
    inp["g1"] = jnp.ones((H,), jnp.float32)
    inp["be1"] = jnp.zeros((H,), jnp.float32)
    # conv2 (GINEConv): edge lin ED->H, nn Linear H->H + BN
    inp["lin_e2_W"] = s * jax.random.normal(ks[5], (ED, H), dtype=jnp.float32)
    inp["lin_e2_b"] = jnp.zeros((H,), jnp.float32)
    inp["W2"] = s * jax.random.normal(ks[6], (H, H), dtype=jnp.float32)
    inp["b2"] = jnp.zeros((H,), jnp.float32)
    inp["g2"] = jnp.ones((H,), jnp.float32)
    inp["be2"] = jnp.zeros((H,), jnp.float32)
    # action layers
    inp["Wa1"] = s * jax.random.normal(ks[7], (H, H), dtype=jnp.float32)
    inp["ba1"] = jnp.zeros((H,), jnp.float32)
    inp["ga1"] = jnp.ones((H,), jnp.float32)
    inp["bea1"] = jnp.zeros((H,), jnp.float32)
    inp["Wa2"] = s * jax.random.normal(ks[8], (H, H), dtype=jnp.float32)
    inp["ba2"] = jnp.zeros((H,), jnp.float32)
    inp["ga2"] = jnp.ones((H,), jnp.float32)
    inp["bea2"] = jnp.zeros((H,), jnp.float32)
    inp["Wa3"] = s * jax.random.normal(ks[9], (H, A), dtype=jnp.float32)
    inp["ba3"] = jnp.zeros((A,), jnp.float32)
    return inp


def _bn(h, g, b):
    mu = h.mean(0)
    var = h.var(0)
    return (h - mu) / jnp.sqrt(var + 1e-5) * g + b


def reference(x, edge_index, edge_attr, batch, lin_e1_W, lin_e1_b, W1, b1, g1, be1,
              lin_e2_W, lin_e2_b, W2, b2, g2, be2,
              Wa1, ba1, ga1, bea1, Wa2, ba2, ga2, bea2, Wa3, ba3):
    src = edge_index[0]
    dst = edge_index[1]
    # GINEConv 1: message = relu(x_j + lin_e(edge_attr)); out = nn((1+eps)*x_i + sum_agg), eps=0
    e1 = edge_attr @ lin_e1_W + lin_e1_b
    m1 = jax.nn.relu(x[src] + e1)
    agg1 = jnp.zeros((x.shape[0], e1.shape[1]), x.dtype).at[dst].add(m1)
    h = x + agg1
    h = jax.nn.relu(_bn(h @ W1 + b1, g1, be1))  # nn1: Linear + BN + ReLU
    h = jax.nn.relu(h)  # F.relu after conv1
    # GINEConv 2
    e2 = edge_attr @ lin_e2_W + lin_e2_b
    m2 = jax.nn.relu(h[src] + e2)
    agg2 = jnp.zeros_like(h).at[dst].add(m2)
    h2 = h + agg2
    h2 = jax.nn.sigmoid(jax.nn.relu(_bn(h2 @ W2 + b2, g2, be2)))  # nn2: Linear+BN+ReLU+Sigmoid
    # per-graph mean pooling (equal-size graphs, like torch.stack(...).mean(axis=1))
    sums = jax.ops.segment_sum(h2, batch, num_segments=B)
    cnts = jax.ops.segment_sum(jnp.ones((h2.shape[0], 1), h2.dtype), batch, num_segments=B)
    pooled = sums / cnts
    a = jax.nn.relu(_bn(pooled @ Wa1 + ba1, ga1, bea1))
    a = jax.nn.relu(_bn(a @ Wa2 + ba2, ga2, bea2))
    return jax.nn.sigmoid(a @ Wa3 + ba3)

if __name__ == "__main__":
    import jax
    _d = setup_inputs()
    print(jax.jit(kernel)(*tuple(_d.values())))

</pallas_src>

<mosaic_0001>
#map = affine_map<(d0, d1) -> (0, 0)>
#map1 = affine_map<(d0, d1) -> (0, 0, 0)>
module attributes {stable_mosaic.version = 14 : i64} {
  func.func @conv(%arg0: i32, %arg1: i32, %arg2: memref<10000x128xf32, #tpu.memory_space<hbm>>, %arg3: memref<323584x128xf32, #tpu.memory_space<hbm>>, %arg4: memref<32x79x128xi32, #tpu.memory_space<hbm>>, %arg5: memref<32x79x128xi32, #tpu.memory_space<hbm>>, %arg6: memref<2x10008x128xf32, #tpu.memory_space<hbm>>, %arg7: memref<79x128xi32, #tpu.memory_space<vmem>>, %arg8: memref<79x128xi32, #tpu.memory_space<vmem>>, %arg9: memref<128x128xf32, #tpu.memory_space<vmem>>, %arg10: memref<10008x128xf32, #tpu.memory_space<vmem_shared>>) attributes {dimension_semantics = [#tpu.dimension_semantics<core_parallel>, #tpu.dimension_semantics<subcore_parallel>], iteration_bounds = array<i64: 2, 16>, scalar_prefetch = 0 : i64, scratch_operands = 4 : i64, tpu.core_type = #tpu.core_type<sc_vector_subcore>, window_params = [{transform_indices = #map}, {transform_indices = #map}, {transform_indices = #map1}, {transform_indices = #map1}, {transform_indices = #map1}]} {
    %mul3A = arith.constant 16 : i32
    %mul3A_0 = arith.muli %arg0, %mul3A : i32
    %add3A = arith.addi %mul3A_0, %arg1 : i32
    %scan3A = arith.constant 0 : i32
    %scan3A_1 = arith.constant 0 : i32
    %scan3A_2 = arith.constant 128 : i32
    %scan3A_3 = arith.addi %scan3A_1, %scan3A_2 : i32
    %scan3A_4 = arith.constant 1 : i32
    %scan3A_5 = scf.for %scan3A_33 = %scan3A_1 to %scan3A_3 step %scan3A_4 iter_args(%scan3A_34 = %scan3A) -> (i32)  : i32 {
      %broadcast_in_dim3A = arith.constant 0.000000e+00 : f32
      %broadcast_in_dim3A_35 = vector.broadcast %broadcast_in_dim3A : f32 to vector<16xf32>
      %swap3A = arith.index_cast %scan3A_33 : i32 to index
      %swap3A_36 = arith.constant 0 : index
      %swap3A_37 = tpu.vector_load %arg9[%swap3A, %swap3A_36] {strides = array<i32>} : memref<128x128xf32, #tpu.memory_space<vmem>>, vector<1x16xf32>,
      %swap3A_38 = vector.shape_cast %swap3A_37 : vector<1x16xf32> to vector<16xf32>
      %swap3A_39 = vector.shape_cast %broadcast_in_dim3A_35 : vector<16xf32> to vector<1x16xf32>
      tpu.vector_store %arg9[%swap3A, %swap3A_36], %swap3A_39 {strides = array<i32>} : memref<128x128xf32, #tpu.memory_space<vmem>>, vector<1x16xf32>,
      %broadcast_in_dim3A_40 = arith.constant 0.000000e+00 : f32
      %broadcast_in_dim3A_41 = vector.broadcast %broadcast_in_dim3A_40 : f32 to vector<16xf32>
      %swap3A_42 = arith.index_cast %scan3A_33 : i32 to index
      %swap3A_43 = arith.constant 16 : index
      %swap3A_44 = tpu.vector_load %arg9[%swap3A_42, %swap3A_43] {strides = array<i32>} : memref<128x128xf32, #tpu.memory_space<vmem>>, vector<1x16xf32>,
      %swap3A_45 = vector.shape_cast %swap3A_44 : vector<1x16xf32> to vector<16xf32>
      %swap3A_46 = vector.shape_cast %broadcast_in_dim3A_41 : vector<16xf32> to vector<1x16xf32>
      tpu.vector_store %arg9[%swap3A_42, %swap3A_43], %swap3A_46 {strides = array<i32>} : memref<128x128xf32, #tpu.memory_space<vmem>>, vector<1x16xf32>,
      %broadcast_in_dim3A_47 = arith.constant 0.000000e+00 : f32
      %broadcast_in_dim3A_48 = vector.broadcast %broadcast_in_dim3A_47 : f32 to vector<16xf32>
      %swap3A_49 = arith.index_cast %scan3A_33 : i32 to index
      %swap3A_50 = arith.constant 32 : index
      %swap3A_51 = tpu.vector_load %arg9[%swap3A_49, %swap3A_50] {strides = array<i32>} : memref<128x128xf32, #tpu.memory_space<vmem>>, vector<1x16xf32>,
      %swap3A_52 = vector.shape_cast %swap3A_51 : vector<1x16xf32> to vector<16xf32>
      %swap3A_53 = vector.shape_cast %broadcast_in_dim3A_48 : vector<16xf32> to vector<1x16xf32>
      tpu.vector_store %arg9[%swap3A_49, %swap3A_50], %swap3A_53 {strides = array<i32>} : memref<128x128xf32, #tpu.memory_space<vmem>>, vector<1x16xf32>,
      %broadcast_in_dim3A_54 = arith.constant 0.000000e+00 : f32
      %broadcast_in_dim3A_55 = vector.broadcast %broadcast_in_dim3A_54 : f32 to vector<16xf32>
      %swap3A_56 = arith.index_cast %scan3A_33 : i32 to index
      %swap3A_57 = arith.constant 48 : index
      %swap3A_58 = tpu.vector_load %arg9[%swap3A_56, %swap3A_57] {strides = array<i32>} : memref<128x128xf32, #tpu.memory_space<vmem>>, vector<1x16xf32>,
      %swap3A_59 = vector.shape_cast %swap3A_58 : vector<1x16xf32> to vector<16xf32>
      %swap3A_60 = vector.shape_cast %broadcast_in_dim3A_55 : vector<16xf32> to vector<1x16xf32>
      tpu.vector_store %arg9[%swap3A_56, %swap3A_57], %swap3A_60 {strides = array<i32>} : memref<128x128xf32, #tpu.memory_space<vmem>>, vector<1x16xf32>,
      %broadcast_in_dim3A_61 = arith.constant 0.000000e+00 : f32
      %broadcast_in_dim3A_62 = vector.broadcast %broadcast_in_dim3A_61 : f32 to vector<16xf32>
      %swap3A_63 = arith.index_cast %scan3A_33 : i32 to index
      %swap3A_64 = arith.constant 64 : index
      %swap3A_65 = tpu.vector_load %arg9[%swap3A_63, %swap3A_64] {strides = array<i32>} : memref<128x128xf32, #tpu.memory_space<vmem>>, vector<1x16xf32>,
      %swap3A_66 = vector.shape_cast %swap3A_65 : vector<1x16xf32> to vector<16xf32>
      %swap3A_67 = vector.shape_cast %broadcast_in_dim3A_62 : vector<16xf32> to vector<1x16xf32>
      tpu.vector_store %arg9[%swap3A_63, %swap3A_64], %swap3A_67 {strides = array<i32>} : memref<128x128xf32, #tpu.memory_space<vmem>>, vector<1x16xf32>,
      %broadcast_in_dim3A_68 = arith.constant 0.000000e+00 : f32
      %broadcast_in_dim3A_69 = vector.broadcast %broadcast_in_dim3A_68 : f32 to vector<16xf32>
      %swap3A_70 = arith.index_cast %scan3A_33 : i32 to index
      %swap3A_71 = arith.constant 80 : index
      %swap3A_72 = tpu.vector_load %arg9[%swap3A_70, %swap3A_71] {strides = array<i32>} : memref<128x128xf32, #tpu.memory_space<vmem>>, vector<1x16xf32>,
      %swap3A_73 = vector.shape_cast %swap3A_72 : vector<1x16xf32> to vector<16xf32>
      %swap3A_74 = vector.shape_cast %broadcast_in_dim3A_69 : vector<16xf32> to vector<1x16xf32>
      tpu.vector_store %arg9[%swap3A_70, %swap3A_71], %swap3A_74 {strides = array<i32>} : memref<128x128xf32, #tpu.memory_space<vmem>>, vector<1x16xf32>,
      %broadcast_in_dim3A_75 = arith.constant 0.000000e+00 : f32
      %broadcast_in_dim3A_76 = vector.broadcast %broadcast_in_dim3A_75 : f32 to vector<16xf32>
      %swap3A_77 = arith.index_cast %scan3A_33 : i32 to index
      %swap3A_78 = arith.constant 96 : index
      %swap3A_79 = tpu.vector_load %arg9[%swap3A_77, %swap3A_78] {strides = array<i32>} : memref<128x128xf32, #tpu.memory_space<vmem>>, vector<1x16xf32>,
      %swap3A_80 = vector.shape_cast %swap3A_79 : vector<1x16xf32> to vector<16xf32>
      %swap3A_81 = vector.shape_cast %broadcast_in_dim3A_76 : vector<16xf32> to vector<1x16xf32>
      tpu.vector_store %arg9[%swap3A_77, %swap3A_78], %swap3A_81 {strides = array<i32>} : memref<128x128xf32, #tpu.memory_space<vmem>>, vector<1x16xf32>,
      %broadcast_in_dim3A_82 = arith.constant 0.000000e+00 : f32
      %broadcast_in_dim3A_83 = vector.broadcast %broadcast_in_dim3A_82 : f32 to vector<16xf32>
      %swap3A_84 = arith.index_cast %scan3A_33 : i32 to index
      %swap3A_85 = arith.constant 112 : index
      %swap3A_86 = tpu.vector_load %arg9[%swap3A_84, %swap3A_85] {strides = array<i32>} : memref<128x128xf32, #tpu.memory_space<vmem>>, vector<1x16xf32>,
      %swap3A_87 = vector.shape_cast %swap3A_86 : vector<1x16xf32> to vector<16xf32>
      %swap3A_88 = vector.shape_cast %broadcast_in_dim3A_83 : vector<16xf32> to vector<1x16xf32>
      tpu.vector_store %arg9[%swap3A_84, %swap3A_85], %swap3A_88 {strides = array<i32>} : memref<128x128xf32, #tpu.memory_space<vmem>>, vector<1x16xf32>,
      %scan3A_89 = arith.constant 0 : i32
      scf.yield %scan3A_89 : i32
    }
    %scan3A_6 = arith.constant 128 : i32
    %lt3A = arith.constant 15 : i32
    %lt3A_7 = arith.cmpi slt, %arg1, %lt3A : i32
    %convert_element_type3A = arith.extui %lt3A_7 : i1 to i32
    %cond3A = arith.constant 0 : i32
    %cond3A_8 = arith.cmpi ne, %convert_element_type3A, %cond3A : i32
    scf.if %cond3A_8 {
      %mul3A_33 = arith.constant 632 : i32
      %mul3A_34 = arith.muli %arg1, %mul3A_33 : i32
      %add3A_35 = arith.constant 0 : i32
      %add3A_36 = arith.addi %mul3A_34, %add3A_35 : i32
      "tpu.region"() ({
        %run_scoped3A = tpu.sem_alloc : memref<!tpu.dma_semaphore, #tpu.memory_space<semaphore_mem>>
        %dma_start3A = arith.constant 0 : i32
        %dma_start3A_45 = tpu.memref_slice %arg10[%add3A_36, %dma_start3A] : memref<10008x128xf32, #tpu.memory_space<vmem_shared>> -> memref<128x128xf32, #tpu.memory_space<vmem_shared>>
        %dma_start3A_46 = arith.constant 0 : i32
        %dma_start3A_47 = tpu.memref_slice %arg10[%add3A_36, %dma_start3A_46] : memref<10008x128xf32, #tpu.memory_space<vmem_shared>> -> memref<128x128xf32, #tpu.memory_space<vmem_shared>>
        tpu.enqueue_dma source(%arg9 : memref<128x128xf32, #tpu.memory_space<vmem>>) target(%dma_start3A_47 : memref<128x128xf32, #tpu.memory_space<vmem_shared>>) target_semaphore(%run_scoped3A : memref<!tpu.dma_semaphore, #tpu.memory_space<semaphore_mem>>)
        %dma_wait3A = arith.constant 0 : i32
        %dma_wait3A_48 = tpu.memref_slice %arg10[%add3A_36, %dma_wait3A] : memref<10008x128xf32, #tpu.memory_space<vmem_shared>> -> memref<128x128xf32, #tpu.memory_space<vmem_shared>>
        %dma_wait3A_49 = arith.constant 0 : i32
        %dma_wait3A_50 = tpu.memref_slice %arg10[%add3A_36, %dma_wait3A_49] : memref<10008x128xf32, #tpu.memory_space<vmem_shared>> -> memref<128x128xf32, #tpu.memory_space<vmem_shared>>
        tpu.wait_dma2 semaphore(%run_scoped3A : memref<!tpu.dma_semaphore, #tpu.memory_space<semaphore_mem>>) src(%arg9 : memref<128x128xf32, #tpu.memory_space<vmem>>) dst(%dma_wait3A_50 : memref<128x128xf32, #tpu.memory_space<vmem_shared>>)
        tpu.yield
      }) : () -> ()
      %add3A_37 = arith.constant 128 : i32
      %add3A_38 = arith.addi %mul3A_34, %add3A_37 : i32
      "tpu.region"() ({
        %run_scoped3A = tpu.sem_alloc : memref<!tpu.dma_semaphore, #tpu.memory_space<semaphore_mem>>
        %dma_start3A = arith.constant 0 : i32
        %dma_start3A_45 = tpu.memref_slice %arg10[%add3A_38, %dma_start3A] : memref<10008x128xf32, #tpu.memory_space<vmem_shared>> -> memref<128x128xf32, #tpu.memory_space<vmem_shared>>
        %dma_start3A_46 = arith.constant 0 : i32
        %dma_start3A_47 = tpu.memref_slice %arg10[%add3A_38, %dma_start3A_46] : memref<10008x128xf32, #tpu.memory_space<vmem_shared>> -> memref<128x128xf32, #tpu.memory_space<vmem_shared>>
        tpu.enqueue_dma source(%arg9 : memref<128x128xf32, #tpu.memory_space<vmem>>) target(%dma_start3A_47 : memref<128x128xf32, #tpu.memory_space<vmem_shared>>) target_semaphore(%run_scoped3A : memref<!tpu.dma_semaphore, #tpu.memory_space<semaphore_mem>>)
        %dma_wait3A = arith.constant 0 : i32
        %dma_wait3A_48 = tpu.memref_slice %arg10[%add3A_38, %dma_wait3A] : memref<10008x128xf32, #tpu.memory_space<vmem_shared>> -> memref<128x128xf32, #tpu.memory_space<vmem_shared>>
        %dma_wait3A_49 = arith.constant 0 : i32
        %dma_wait3A_50 = tpu.memref_slice %arg10[%add3A_38, %dma_wait3A_49] : memref<10008x128xf32, #tpu.memory_space<vmem_shared>> -> memref<128x128xf32, #tpu.memory_space<vmem_shared>>
        tpu.wait_dma2 semaphore(%run_scoped3A : memref<!tpu.dma_semaphore, #tpu.memory_space<semaphore_mem>>) src(%arg9 : memref<128x128xf32, #tpu.memory_space<vmem>>) dst(%dma_wait3A_50 : memref<128x128xf32, #tpu.memory_space<vmem_shared>>)
        tpu.yield
      }) : () -> ()
      %add3A_39 = arith.constant 256 : i32
      %add3A_40 = arith.addi %mul3A_34, %add3A_39 : i32
      "tpu.region"() ({
        %run_scoped3A = tpu.sem_alloc : memref<!tpu.dma_semaphore, #tpu.memory_space<semaphore_mem>>
        %dma_start3A = arith.constant 0 : i32
        %dma_start3A_45 = tpu.memref_slice %arg10[%add3A_40, %dma_start3A] : memref<10008x128xf32, #tpu.memory_space<vmem_shared>> -> memref<128x128xf32, #tpu.memory_space<vmem_shared>>
        %dma_start3A_46 = arith.constant 0 : i32
        %dma_start3A_47 = tpu.memref_slice %arg10[%add3A_40, %dma_start3A_46] : memref<10008x128xf32, #tpu.memory_space<vmem_shared>> -> memref<128x128xf32, #tpu.memory_space<vmem_shared>>
        tpu.enqueue_dma source(%arg9 : memref<128x128xf32, #tpu.memory_space<vmem>>) target(%dma_start3A_47 : memref<128x128xf32, #tpu.memory_space<vmem_shared>>) target_semaphore(%run_scoped3A : memref<!tpu.dma_semaphore, #tpu.memory_space<semaphore_mem>>)
        %dma_wait3A = arith.constant 0 : i32
        %dma_wait3A_48 = tpu.memref_slice %arg10[%add3A_40, %dma_wait3A] : memref<10008x128xf32, #tpu.memory_space<vmem_shared>> -> memref<128x128xf32, #tpu.memory_space<vmem_shared>>
        %dma_wait3A_49 = arith.constant 0 : i32
        %dma_wait3A_50 = tpu.memref_slice %arg10[%add3A_40, %dma_wait3A_49] : memref<10008x128xf32, #tpu.memory_space<vmem_shared>> -> memref<128x128xf32, #tpu.memory_space<vmem_shared>>
        tpu.wait_dma2 semaphore(%run_scoped3A : memref<!tpu.dma_semaphore, #tpu.memory_space<semaphore_mem>>) src(%arg9 : memref<128x128xf32, #tpu.memory_space<vmem>>) dst(%dma_wait3A_50 : memref<128x128xf32, #tpu.memory_space<vmem_shared>>)
        tpu.yield
      }) : () -> ()
      %add3A_41 = arith.constant 384 : i32
      %add3A_42 = arith.addi %mul3A_34, %add3A_41 : i32
      "tpu.region"() ({
        %run_scoped3A = tpu.sem_alloc : memref<!tpu.dma_semaphore, #tpu.memory_space<semaphore_mem>>
        %dma_start3A = arith.constant 0 : i32
        %dma_start3A_45 = tpu.memref_slice %arg10[%add3A_42, %dma_start3A] : memref<10008x128xf32, #tpu.memory_space<vmem_shared>> -> memref<128x128xf32, #tpu.memory_space<vmem_shared>>
        %dma_start3A_46 = arith.constant 0 : i32
        %dma_start3A_47 = tpu.memref_slice %arg10[%add3A_42, %dma_start3A_46] : memref<10008x128xf32, #tpu.memory_space<vmem_shared>> -> memref<128x128xf32, #tpu.memory_space<vmem_shared>>
        tpu.enqueue_dma source(%arg9 : memref<128x128xf32, #tpu.memory_space<vmem>>) target(%dma_start3A_47 : memref<128x128xf32, #tpu.memory_space<vmem_shared>>) target_semaphore(%run_scoped3A : memref<!tpu.dma_semaphore, #tpu.memory_space<semaphore_mem>>)
        %dma_wait3A = arith.constant 0 : i32
        %dma_wait3A_48 = tpu.memref_slice %arg10[%add3A_42, %dma_wait3A] : memref<10008x128xf32, #tpu.memory_space<vmem_shared>> -> memref<128x128xf32, #tpu.memory_space<vmem_shared>>
        %dma_wait3A_49 = arith.constant 0 : i32
        %dma_wait3A_50 = tpu.memref_slice %arg10[%add3A_42, %dma_wait3A_49] : memref<10008x128xf32, #tpu.memory_space<vmem_shared>> -> memref<128x128xf32, #tpu.memory_space<vmem_shared>>
        tpu.wait_dma2 semaphore(%run_scoped3A : memref<!tpu.dma_semaphore, #tpu.memory_space<semaphore_mem>>) src(%arg9 : memref<128x128xf32, #tpu.memory_space<vmem>>) dst(%dma_wait3A_50 : memref<128x128xf32, #tpu.memory_space<vmem_shared>>)
        tpu.yield
      }) : () -> ()
      %add3A_43 = arith.constant 512 : i32
      %add3A_44 = arith.addi %mul3A_34, %add3A_43 : i32
      "tpu.region"() ({
        %run_scoped3A = tpu.sem_alloc : memref<!tpu.dma_semaphore, #tpu.memory_space<semaphore_mem>>
        %dma_start3A = arith.constant 0 : i32
        %dma_start3A_45 = arith.constant 0 : i32
        %dma_start3A_46 = tpu.memref_slice %arg9[%dma_start3A, %dma_start3A_45] : memref<128x128xf32, #tpu.memory_space<vmem>> -> memref<120x128xf32, #tpu.memory_space<vmem>>
        %dma_start3A_47 = arith.constant 0 : i32
        %dma_start3A_48 = tpu.memref_slice %arg10[%add3A_44, %dma_start3A_47] : memref<10008x128xf32, #tpu.memory_space<vmem_shared>> -> memref<120x128xf32, #tpu.memory_space<vmem_shared>>
        %dma_start3A_49 = arith.constant 0 : i32
        %dma_start3A_50 = tpu.memref_slice %arg10[%add3A_44, %dma_start3A_49] : memref<10008x128xf32, #tpu.memory_space<vmem_shared>> -> memref<120x128xf32, #tpu.memory_space<vmem_shared>>
        %dma_start3A_51 = arith.constant 0 : i32
        %dma_start3A_52 = arith.constant 0 : i32
        %dma_start3A_53 = tpu.memref_slice %arg9[%dma_start3A_51, %dma_start3A_52] : memref<128x128xf32, #tpu.memory_space<vmem>> -> memref<120x128xf32, #tpu.memory_space<vmem>>
        tpu.enqueue_dma source(%dma_start3A_53 : memref<120x128xf32, #tpu.memory_space<vmem>>) target(%dma_start3A_50 : memref<120x128xf32, #tpu.memory_space<vmem_shared>>) target_semaphore(%run_scoped3A : memref<!tpu.dma_semaphore, #tpu.memory_space<semaphore_mem>>)
        %dma_wait3A = arith.constant 0 : i32
        %dma_wait3A_54 = arith.constant 0 : i32
        %dma_wait3A_55 = tpu.memref_slice %arg9[%dma_wait3A, %dma_wait3A_54] : memref<128x128xf32, #tpu.memory_space<vmem>> -> memref<120x128xf32, #tpu.memory_space<vmem>>
        %dma_wait3A_56 = arith.constant 0 : i32
        %dma_wait3A_57 = tpu.memref_slice %arg10[%add3A_44, %dma_wait3A_56] : memref<10008x128xf32, #tpu.memory_space<vmem_shared>> -> memref<120x128xf32, #tpu.memory_space<vmem_shared>>
        %dma_wait3A_58 = arith.constant 0 : i32
        %dma_wait3A_59 = tpu.memref_slice %arg10[%add3A_44, %dma_wait3A_58] : memref<10008x128xf32, #tpu.memory_space<vmem_shared>> -> memref<120x128xf32, #tpu.memory_space<vmem_shared>>
        %dma_wait3A_60 = arith.constant 0 : i32
        %dma_wait3A_61 = arith.constant 0 : i32
        %dma_wait3A_62 = tpu.memref_slice %arg9[%dma_wait3A_60, %dma_wait3A_61] : memref<128x128xf32, #tpu.memory_space<vmem>> -> memref<120x128xf32, #tpu.memory_space<vmem>>
        tpu.wait_dma2 semaphore(%run_scoped3A : memref<!tpu.dma_semaphore, #tpu.memory_space<semaphore_mem>>) src(%dma_wait3A_62 : memref<120x128xf32, #tpu.memory_space<vmem>>) dst(%dma_wait3A_59 : memref<120x128xf32, #tpu.memory_space<vmem_shared>>)
        tpu.yield
      }) : () -> ()
    } else {
    }
    %eq3A = arith.constant 15 : i32
    %eq3A_9 = arith.cmpi eq, %arg1, %eq3A : i32
    %convert_element_type3A_10 = arith.extui %eq3A_9 : i1 to i32
    %cond3A_11 = arith.constant 0 : i32
    %cond3A_12 = arith.cmpi ne, %convert_element_type3A_10, %cond3A_11 : i32
    scf.if %cond3A_12 {
      "tpu.region"() ({
        %run_scoped3A = tpu.sem_alloc : memref<!tpu.dma_semaphore, #tpu.memory_space<semaphore_mem>>
        %dma_start3A = arith.constant 9480 : i32
        %dma_start3A_33 = arith.constant 0 : i32
        %dma_start3A_34 = tpu.memref_slice %arg10[%dma_start3A, %dma_start3A_33] : memref<10008x128xf32, #tpu.memory_space<vmem_shared>> -> memref<128x128xf32, #tpu.memory_space<vmem_shared>>
        %dma_start3A_35 = arith.constant 9480 : i32
        %dma_start3A_36 = arith.constant 0 : i32
        %dma_start3A_37 = tpu.memref_slice %arg10[%dma_start3A_35, %dma_start3A_36] : memref<10008x128xf32, #tpu.memory_space<vmem_shared>> -> memref<128x128xf32, #tpu.memory_space<vmem_shared>>
        tpu.enqueue_dma source(%arg9 : memref<128x128xf32, #tpu.memory_space<vmem>>) target(%dma_start3A_37 : memref<128x128xf32, #tpu.memory_space<vmem_shared>>) target_semaphore(%run_scoped3A : memref<!tpu.dma_semaphore, #tpu.memory_space<semaphore_mem>>)
        %dma_wait3A = arith.constant 9480 : i32
        %dma_wait3A_38 = arith.constant 0 : i32
        %dma_wait3A_39 = tpu.memref_slice %arg10[%dma_wait3A, %dma_wait3A_38] : memref<10008x128xf32, #tpu.memory_space<vmem_shared>> -> memref<128x128xf32, #tpu.memory_space<vmem_shared>>
        %dma_wait3A_40 = arith.constant 9480 : i32
        %dma_wait3A_41 = arith.constant 0 : i32
        %dma_wait3A_42 = tpu.memref_slice %arg10[%dma_wait3A_40, %dma_wait3A_41] : memref<10008x128xf32, #tpu.memory_space<vmem_shared>> -> memref<128x128xf32, #tpu.memory_space<vmem_shared>>
        tpu.wait_dma2 semaphore(%run_scoped3A : memref<!tpu.dma_semaphore, #tpu.memory_space<semaphore_mem>>) src(%arg9 : memref<128x128xf32, #tpu.memory_space<vmem>>) dst(%dma_wait3A_42 : memref<128x128xf32, #tpu.memory_space<vmem_shared>>)
        tpu.yield
      }) : () -> ()
      "tpu.region"() ({
        %run_scoped3A = tpu.sem_alloc : memref<!tpu.dma_semaphore, #tpu.memory_space<semaphore_mem>>
        %dma_start3A = arith.constant 9608 : i32
        %dma_start3A_33 = arith.constant 0 : i32
        %dma_start3A_34 = tpu.memref_slice %arg10[%dma_start3A, %dma_start3A_33] : memref<10008x128xf32, #tpu.memory_space<vmem_shared>> -> memref<128x128xf32, #tpu.memory_space<vmem_shared>>
        %dma_start3A_35 = arith.constant 9608 : i32
        %dma_start3A_36 = arith.constant 0 : i32
        %dma_start3A_37 = tpu.memref_slice %arg10[%dma_start3A_35, %dma_start3A_36] : memref<10008x128xf32, #tpu.memory_space<vmem_shared>> -> memref<128x128xf32, #tpu.memory_space<vmem_shared>>
        tpu.enqueue_dma source(%arg9 : memref<128x128xf32, #tpu.memory_space<vmem>>) target(%dma_start3A_37 : memref<128x128xf32, #tpu.memory_space<vmem_shared>>) target_semaphore(%run_scoped3A : memref<!tpu.dma_semaphore, #tpu.memory_space<semaphore_mem>>)
        %dma_wait3A = arith.constant 9608 : i32
        %dma_wait3A_38 = arith.constant 0 : i32
        %dma_wait3A_39 = tpu.memref_slice %arg10[%dma_wait3A, %dma_wait3A_38] : memref<10008x128xf32, #tpu.memory_space<vmem_shared>> -> memref<128x128xf32, #tpu.memory_space<vmem_shared>>
        %dma_wait3A_40 = arith.constant 9608 : i32
        %dma_wait3A_41 = arith.constant 0 : i32
        %dma_wait3A_42 = tpu.memref_slice %arg10[%dma_wait3A_40, %dma_wait3A_41] : memref<10008x128xf32, #tpu.memory_space<vmem_shared>> -> memref<128x128xf32, #tpu.memory_space<vmem_shared>>
        tpu.wait_dma2 semaphore(%run_scoped3A : memref<!tpu.dma_semaphore, #tpu.memory_space<semaphore_mem>>) src(%arg9 : memref<128x128xf32, #tpu.memory_space<vmem>>) dst(%dma_wait3A_42 : memref<128x128xf32, #tpu.memory_space<vmem_shared>>)
        tpu.yield
      }) : () -> ()
      "tpu.region"() ({
        %run_scoped3A = tpu.sem_alloc : memref<!tpu.dma_semaphore, #tpu.memory_space<semaphore_mem>>
        %dma_start3A = arith.constant 9736 : i32
        %dma_start3A_33 = arith.constant 0 : i32
        %dma_start3A_34 = tpu.memref_slice %arg10[%dma_start3A, %dma_start3A_33] : memref<10008x128xf32, #tpu.memory_space<vmem_shared>> -> memref<128x128xf32, #tpu.memory_space<vmem_shared>>
        %dma_start3A_35 = arith.constant 9736 : i32
        %dma_start3A_36 = arith.constant 0 : i32
        %dma_start3A_37 = tpu.memref_slice %arg10[%dma_start3A_35, %dma_start3A_36] : memref<10008x128xf32, #tpu.memory_space<vmem_shared>> -> memref<128x128xf32, #tpu.memory_space<vmem_shared>>
        tpu.enqueue_dma source(%arg9 : memref<128x128xf32, #tpu.memory_space<vmem>>) target(%dma_start3A_37 : memref<128x128xf32, #tpu.memory_space<vmem_shared>>) target_semaphore(%run_scoped3A : memref<!tpu.dma_semaphore, #tpu.memory_space<semaphore_mem>>)
        %dma_wait3A = arith.constant 9736 : i32
        %dma_wait3A_38 = arith.constant 0 : i32
        %dma_wait3A_39 = tpu.memref_slice %arg10[%dma_wait3A, %dma_wait3A_38] : memref<10008x128xf32, #tpu.memory_space<vmem_shared>> -> memref<128x128xf32, #tpu.memory_space<vmem_shared>>
        %dma_wait3A_40 = arith.constant 9736 : i32
        %dma_wait3A_41 = arith.constant 0 : i32
        %dma_wait3A_42 = tpu.memref_slice %arg10[%dma_wait3A_40, %dma_wait3A_41] : memref<10008x128xf32, #tpu.memory_space<vmem_shared>> -> memref<128x128xf32, #tpu.memory_space<vmem_shared>>
        tpu.wait_dma2 semaphore(%run_scoped3A : memref<!tpu.dma_semaphore, #tpu.memory_space<semaphore_mem>>) src(%arg9 : memref<128x128xf32, #tpu.memory_space<vmem>>) dst(%dma_wait3A_42 : memref<128x128xf32, #tpu.memory_space<vmem_shared>>)
        tpu.yield
      }) : () -> ()
      "tpu.region"() ({
        %run_scoped3A = tpu.sem_alloc : memref<!tpu.dma_semaphore, #tpu.memory_space<semaphore_mem>>
        %dma_start3A = arith.constant 9864 : i32
        %dma_start3A_33 = arith.constant 0 : i32
        %dma_start3A_34 = tpu.memref_slice %arg10[%dma_start3A, %dma_start3A_33] : memref<10008x128xf32, #tpu.memory_space<vmem_shared>> -> memref<128x128xf32, #tpu.memory_space<vmem_shared>>
        %dma_start3A_35 = arith.constant 9864 : i32
        %dma_start3A_36 = arith.constant 0 : i32
        %dma_start3A_37 = tpu.memref_slice %arg10[%dma_start3A_35, %dma_start3A_36] : memref<10008x128xf32, #tpu.memory_space<vmem_shared>> -> memref<128x128xf32, #tpu.memory_space<vmem_shared>>
        tpu.enqueue_dma source(%arg9 : memref<128x128xf32, #tpu.memory_space<vmem>>) target(%dma_start3A_37 : memref<128x128xf32, #tpu.memory_space<vmem_shared>>) target_semaphore(%run_scoped3A : memref<!tpu.dma_semaphore, #tpu.memory_space<semaphore_mem>>)
        %dma_wait3A = arith.constant 9864 : i32
        %dma_wait3A_38 = arith.constant 0 : i32
        %dma_wait3A_39 = tpu.memref_slice %arg10[%dma_wait3A, %dma_wait3A_38] : memref<10008x128xf32, #tpu.memory_space<vmem_shared>> -> memref<128x128xf32, #tpu.memory_space<vmem_shared>>
        %dma_wait3A_40 = arith.constant 9864 : i32
        %dma_wait3A_41 = arith.constant 0 : i32
        %dma_wait3A_42 = tpu.memref_slice %arg10[%dma_wait3A_40, %dma_wait3A_41] : memref<10008x128xf32, #tpu.memory_space<vmem_shared>> -> memref<128x128xf32, #tpu.memory_space<vmem_shared>>
        tpu.wait_dma2 semaphore(%run_scoped3A : memref<!tpu.dma_semaphore, #tpu.memory_space<semaphore_mem>>) src(%arg9 : memref<128x128xf32, #tpu.memory_space<vmem>>) dst(%dma_wait3A_42 : memref<128x128xf32, #tpu.memory_space<vmem_shared>>)
        tpu.yield
      }) : () -> ()
      "tpu.region"() ({
        %run_scoped3A = tpu.sem_alloc : memref<!tpu.dma_semaphore, #tpu.memory_space<semaphore_mem>>
        %dma_start3A = arith.constant 0 : i32
        %dma_start3A_33 = arith.constant 0 : i32
        %dma_start3A_34 = tpu.memref_slice %arg9[%dma_start3A, %dma_start3A_33] : memref<128x128xf32, #tpu.memory_space<vmem>> -> memref<16x128xf32, #tpu.memory_space<vmem>>
        %dma_start3A_35 = arith.constant 9992 : i32
        %dma_start3A_36 = arith.constant 0 : i32
        %dma_start3A_37 = tpu.memref_slice %arg10[%dma_start3A_35, %dma_start3A_36] : memref<10008x128xf32, #tpu.memory_space<vmem_shared>> -> memref<16x128xf32, #tpu.memory_space<vmem_shared>>
        %dma_start3A_38 = arith.constant 9992 : i32
        %dma_start3A_39 = arith.constant 0 : i32
        %dma_start3A_40 = tpu.memref_slice %arg10[%dma_start3A_38, %dma_start3A_39] : memref<10008x128xf32, #tpu.memory_space<vmem_shared>> -> memref<16x128xf32, #tpu.memory_space<vmem_shared>>
        %dma_start3A_41 = arith.constant 0 : i32
        %dma_start3A_42 = arith.constant 0 : i32
        %dma_start3A_43 = tpu.memref_slice %arg9[%dma_start3A_41, %dma_start3A_42] : memref<128x128xf32, #tpu.memory_space<vmem>> -> memref<16x128xf32, #tpu.memory_space<vmem>>
        tpu.enqueue_dma source(%dma_start3A_43 : memref<16x128xf32, #tpu.memory_space<vmem>>) target(%dma_start3A_40 : memref<16x128xf32, #tpu.memory_space<vmem_shared>>) target_semaphore(%run_scoped3A : memref<!tpu.dma_semaphore, #tpu.memory_space<semaphore_mem>>)
        %dma_wait3A = arith.constant 0 : i32
        %dma_wait3A_44 = arith.constant 0 : i32
        %dma_wait3A_45 = tpu.memref_slice %arg9[%dma_wait3A, %dma_wait3A_44] : memref<128x128xf32, #tpu.memory_space<vmem>> -> memref<16x128xf32, #tpu.memory_space<vmem>>
        %dma_wait3A_46 = arith.constant 9992 : i32
        %dma_wait3A_47 = arith.constant 0 : i32
        %dma_wait3A_48 = tpu.memref_slice %arg10[%dma_wait3A_46, %dma_wait3A_47] : memref<10008x128xf32, #tpu.memory_space<vmem_shared>> -> memref<16x128xf32, #tpu.memory_space<vmem_shared>>
        %dma_wait3A_49 = arith.constant 9992 : i32
        %dma_wait3A_50 = arith.constant 0 : i32
        %dma_wait3A_51 = tpu.memref_slice %arg10[%dma_wait3A_49, %dma_wait3A_50] : memref<10008x128xf32, #tpu.memory_space<vmem_shared>> -> memref<16x128xf32, #tpu.memory_space<vmem_shared>>
        %dma_wait3A_52 = arith.constant 0 : i32
        %dma_wait3A_53 = arith.constant 0 : i32
        %dma_wait3A_54 = tpu.memref_slice %arg9[%dma_wait3A_52, %dma_wait3A_53] : memref<128x128xf32, #tpu.memory_space<vmem>> -> memref<16x128xf32, #tpu.memory_space<vmem>>
        tpu.wait_dma2 semaphore(%run_scoped3A : memref<!tpu.dma_semaphore, #tpu.memory_space<semaphore_mem>>) src(%dma_wait3A_54 : memref<16x128xf32, #tpu.memory_space<vmem>>) dst(%dma_wait3A_51 : memref<16x128xf32, #tpu.memory_space<vmem_shared>>)
        tpu.yield
      }) : () -> ()
    } else {
    }
    "tpu.region"() ({
      %run_scoped3A = tpu.sem_alloc : memref<!tpu.dma_semaphore, #tpu.memory_space<semaphore_mem>>
      %dma_start3A = arith.constant 0 : i32
      %dma_start3A_33 = arith.constant 0 : i32
      %dma_start3A_34 = tpu.memref_slice %arg4[%add3A, %dma_start3A, %dma_start3A_33] : memref<32x79x128xi32, #tpu.memory_space<hbm>> -> memref<1x79x128xi32, #tpu.memory_space<hbm>>
      %dma_start3A_35 = tpu.memref_squeeze %dma_start3A_34 : memref<1x79x128xi32, #tpu.memory_space<hbm>> -> memref<79x128xi32, #tpu.memory_space<hbm>>
      %dma_start3A_36 = arith.constant 0 : i32
      %dma_start3A_37 = arith.constant 0 : i32
      %dma_start3A_38 = tpu.memref_slice %arg4[%add3A, %dma_start3A_36, %dma_start3A_37] : memref<32x79x128xi32, #tpu.memory_space<hbm>> -> memref<1x79x128xi32, #tpu.memory_space<hbm>>
      %dma_start3A_39 = tpu.memref_squeeze %dma_start3A_38 : memref<1x79x128xi32, #tpu.memory_space<hbm>> -> memref<79x128xi32, #tpu.memory_space<hbm>>
      tpu.enqueue_dma source(%dma_start3A_39 : memref<79x128xi32, #tpu.memory_space<hbm>>) target(%arg7 : memref<79x128xi32, #tpu.memory_space<vmem>>) target_semaphore(%run_scoped3A : memref<!tpu.dma_semaphore, #tpu.memory_space<semaphore_mem>>)
      %dma_wait3A = arith.constant 0 : i32
      %dma_wait3A_40 = arith.constant 0 : i32
      %dma_wait3A_41 = tpu.memref_slice %arg4[%add3A, %dma_wait3A, %dma_wait3A_40] : memref<32x79x128xi32, #tpu.memory_space<hbm>> -> memref<1x79x128xi32, #tpu.memory_space<hbm>>
      %dma_wait3A_42 = tpu.memref_squeeze %dma_wait3A_41 : memref<1x79x128xi32, #tpu.memory_space<hbm>> -> memref<79x128xi32, #tpu.memory_space<hbm>>
      %dma_wait3A_43 = arith.constant 0 : i32
      %dma_wait3A_44 = arith.constant 0 : i32
      %dma_wait3A_45 = tpu.memref_slice %arg4[%add3A, %dma_wait3A_43, %dma_wait3A_44] : memref<32x79x128xi32, #tpu.memory_space<hbm>> -> memref<1x79x128xi32, #tpu.memory_space<hbm>>
      %dma_wait3A_46 = tpu.memref_squeeze %dma_wait3A_45 : memref<1x79x128xi32, #tpu.memory_space<hbm>> -> memref<79x128xi32, #tpu.memory_space<hbm>>
      tpu.wait_dma2 semaphore(%run_scoped3A : memref<!tpu.dma_semaphore, #tpu.memory_space<semaphore_mem>>) src(%dma_wait3A_46 : memref<79x128xi32, #tpu.memory_space<hbm>>) dst(%arg7 : memref<79x128xi32, #tpu.memory_space<vmem>>)
      tpu.yield
    }) : () -> ()
    "tpu.region"() ({
      %run_scoped3A = tpu.sem_alloc : memref<!tpu.dma_semaphore, #tpu.memory_space<semaphore_mem>>
      %dma_start3A = arith.constant 0 : i32
      %dma_start3A_33 = arith.constant 0 : i32
      %dma_start3A_34 = tpu.memref_slice %arg5[%add3A, %dma_start3A, %dma_start3A_33] : memref<32x79x128xi32, #tpu.memory_space<hbm>> -> memref<1x79x128xi32, #tpu.memory_space<hbm>>
      %dma_start3A_35 = tpu.memref_squeeze %dma_start3A_34 : memref<1x79x128xi32, #tpu.memory_space<hbm>> -> memref<79x128xi32, #tpu.memory_space<hbm>>
      %dma_start3A_36 = arith.constant 0 : i32
      %dma_start3A_37 = arith.constant 0 : i32
      %dma_start3A_38 = tpu.memref_slice %arg5[%add3A, %dma_start3A_36, %dma_start3A_37] : memref<32x79x128xi32, #tpu.memory_space<hbm>> -> memref<1x79x128xi32, #tpu.memory_space<hbm>>
      %dma_start3A_39 = tpu.memref_squeeze %dma_start3A_38 : memref<1x79x128xi32, #tpu.memory_space<hbm>> -> memref<79x128xi32, #tpu.memory_space<hbm>>
      tpu.enqueue_dma source(%dma_start3A_39 : memref<79x128xi32, #tpu.memory_space<hbm>>) target(%arg8 : memref<79x128xi32, #tpu.memory_space<vmem>>) target_semaphore(%run_scoped3A : memref<!tpu.dma_semaphore, #tpu.memory_space<semaphore_mem>>)
      %dma_wait3A = arith.constant 0 : i32
      %dma_wait3A_40 = arith.constant 0 : i32
      %dma_wait3A_41 = tpu.memref_slice %arg5[%add3A, %dma_wait3A, %dma_wait3A_40] : memref<32x79x128xi32, #tpu.memory_space<hbm>> -> memref<1x79x128xi32, #tpu.memory_space<hbm>>
      %dma_wait3A_42 = tpu.memref_squeeze %dma_wait3A_41 : memref<1x79x128xi32, #tpu.memory_space<hbm>> -> memref<79x128xi32, #tpu.memory_space<hbm>>
      %dma_wait3A_43 = arith.constant 0 : i32
      %dma_wait3A_44 = arith.constant 0 : i32
      %dma_wait3A_45 = tpu.memref_slice %arg5[%add3A, %dma_wait3A_43, %dma_wait3A_44] : memref<32x79x128xi32, #tpu.memory_space<hbm>> -> memref<1x79x128xi32, #tpu.memory_space<hbm>>
      %dma_wait3A_46 = tpu.memref_squeeze %dma_wait3A_45 : memref<1x79x128xi32, #tpu.memory_space<hbm>> -> memref<79x128xi32, #tpu.memory_space<hbm>>
      tpu.wait_dma2 semaphore(%run_scoped3A : memref<!tpu.dma_semaphore, #tpu.memory_space<semaphore_mem>>) src(%dma_wait3A_46 : memref<79x128xi32, #tpu.memory_space<hbm>>) dst(%arg8 : memref<79x128xi32, #tpu.memory_space<vmem>>)
      tpu.yield
    }) : () -> ()
    %barrier3A = arith.constant 0 : index
    tpu.barrier barrier_id(%barrier3A)
    %mul3A_13 = arith.constant 10112 : i32
    %mul3A_14 = arith.muli %add3A, %mul3A_13 : i32
    %scan3A_15 = arith.constant 0 : i32
    %scan3A_16 = arith.constant 0 : i32
    %scan3A_17 = arith.constant 79 : i32
    %scan3A_18 = arith.addi %scan3A_16, %scan3A_17 : i32
    %scan3A_19 = arith.constant 1 : i32
    %scan3A_20 = scf.for %scan3A_33 = %scan3A_16 to %scan3A_18 step %scan3A_19 iter_args(%scan3A_34 = %scan3A_15) -> (i32)  : i32 {
      %mul3A_35 = arith.constant 128 : i32
      %mul3A_36 = arith.muli %scan3A_33, %mul3A_35 : i32
      %add3A_37 = arith.addi %mul3A_14, %mul3A_36 : i32
      "tpu.region"() ({
        %run_scoped3A = tpu.sem_alloc : memref<!tpu.dma_semaphore, #tpu.memory_space<semaphore_mem>>
        %dma_start3A = arith.constant 0 : i32
        %dma_start3A_46 = tpu.memref_slice %arg3[%add3A_37, %dma_start3A] : memref<323584x128xf32, #tpu.memory_space<hbm>> -> memref<128x128xf32, #tpu.memory_space<hbm>>
        %dma_start3A_47 = arith.constant 0 : i32
        %dma_start3A_48 = tpu.memref_slice %arg3[%add3A_37, %dma_start3A_47] : memref<323584x128xf32, #tpu.memory_space<hbm>> -> memref<128x128xf32, #tpu.memory_space<hbm>>
        tpu.enqueue_dma source(%dma_start3A_48 : memref<128x128xf32, #tpu.memory_space<hbm>>) target(%arg9 : memref<128x128xf32, #tpu.memory_space<vmem>>) target_semaphore(%run_scoped3A : memref<!tpu.dma_semaphore, #tpu.memory_space<semaphore_mem>>)
        %dma_wait3A = arith.constant 0 : i32
        %dma_wait3A_49 = tpu.memref_slice %arg3[%add3A_37, %dma_wait3A] : memref<323584x128xf32, #tpu.memory_space<hbm>> -> memref<128x128xf32, #tpu.memory_space<hbm>>
        %dma_wait3A_50 = arith.constant 0 : i32
        %dma_wait3A_51 = tpu.memref_slice %arg3[%add3A_37, %dma_wait3A_50] : memref<323584x128xf32, #tpu.memory_space<hbm>> -> memref<128x128xf32, #tpu.memory_space<hbm>>
        tpu.wait_dma2 semaphore(%run_scoped3A : memref<!tpu.dma_semaphore, #tpu.memory_space<semaphore_mem>>) src(%dma_wait3A_51 : memref<128x128xf32, #tpu.memory_space<hbm>>) dst(%arg9 : memref<128x128xf32, #tpu.memory_space<vmem>>)
        tpu.yield
      }) : () -> ()
      "tpu.region"() ({
        %run_scoped3A = tpu.sem_alloc : memref<!tpu.dma_semaphore, #tpu.memory_space<semaphore_mem>>
        %dma_start3A = arith.constant 0 : i32
        %dma_start3A_46 = tpu.memref_slice %arg7[%scan3A_33, %dma_start3A] : memref<79x128xi32, #tpu.memory_space<vmem>> -> memref<1x128xi32, #tpu.memory_space<vmem>>
        %dma_start3A_47 = tpu.memref_squeeze %dma_start3A_46 : memref<1x128xi32, #tpu.memory_space<vmem>> -> memref<128xi32, #tpu.memory_space<vmem>>
        %dma_start3A_48 = arith.constant 0 : i32
        %dma_start3A_49 = arith.constant 0 : i32
        %dma_start3A_50 = tpu.memref_slice %arg2[%dma_start3A_48, %dma_start3A_49] : memref<10000x128xf32, #tpu.memory_space<hbm>> -> memref<10000x128xf32, #tpu.memory_space<hbm>>
        tpu.enqueue_indirect_dma source(%dma_start3A_50 : memref<10000x128xf32, #tpu.memory_space<hbm>>) target(%arg9 : memref<128x128xf32, #tpu.memory_space<vmem>>) offsets(%dma_start3A_47 : memref<128xi32, #tpu.memory_space<vmem>>) semaphore(%run_scoped3A : memref<!tpu.dma_semaphore, #tpu.memory_space<semaphore_mem>>) {add = true}
        %dma_wait3A = arith.constant 0 : i32
        %dma_wait3A_51 = tpu.memref_slice %arg7[%scan3A_33, %dma_wait3A] : memref<79x128xi32, #tpu.memory_space<vmem>> -> memref<1x128xi32, #tpu.memory_space<vmem>>
        %dma_wait3A_52 = tpu.memref_squeeze %dma_wait3A_51 : memref<1x128xi32, #tpu.memory_space<vmem>> -> memref<128xi32, #tpu.memory_space<vmem>>
        %dma_wait3A_53 = arith.constant 0 : i32
        %dma_wait3A_54 = arith.constant 0 : i32
        %dma_wait3A_55 = tpu.memref_slice %arg2[%dma_wait3A_53, %dma_wait3A_54] : memref<10000x128xf32, #tpu.memory_space<hbm>> -> memref<10000x128xf32, #tpu.memory_space<hbm>>
        tpu.wait_indirect_dma semaphore(%run_scoped3A : memref<!tpu.dma_semaphore, #tpu.memory_space<semaphore_mem>>) src(%dma_wait3A_55 : memref<10000x128xf32, #tpu.memory_space<hbm>>) dst(%arg9 : memref<128x128xf32, #tpu.memory_space<vmem>>)
        tpu.yield
      }) : () -> ()
      %scan3A_38 = arith.constant 0 : i32
      %scan3A_39 = arith.constant 0 : i32
      %scan3A_40 = arith.constant 128 : i32
      %scan3A_41 = arith.addi %scan3A_39, %scan3A_40 : i32
      %scan3A_42 = arith.constant 1 : i32
      %scan3A_43 = scf.for %scan3A_46 = %scan3A_39 to %scan3A_41 step %scan3A_42 iter_args(%scan3A_47 = %scan3A_38) -> (i32)  : i32 {
        %get3A = arith.index_cast %scan3A_46 : i32 to index
        %get3A_48 = arith.constant 0 : index
        %get3A_49 = tpu.vector_load %arg9[%get3A, %get3A_48] {strides = array<i32>} : memref<128x128xf32, #tpu.memory_space<vmem>>, vector<1x16xf32>,
        %get3A_50 = vector.shape_cast %get3A_49 : vector<1x16xf32> to vector<16xf32>
        %max3A = arith.constant 0.000000e+00 : f32
        %max3A_51 = vector.broadcast %max3A : f32 to vector<16xf32>
        %max3A_52 = arith.maximumf %get3A_50, %max3A_51 : vector<16xf32>
        %swap3A = arith.index_cast %scan3A_46 : i32 to index
        %swap3A_53 = arith.constant 0 : index
        %swap3A_54 = tpu.vector_load %arg9[%swap3A, %swap3A_53] {strides = array<i32>} : memref<128x128xf32, #tpu.memory_space<vmem>>, vector<1x16xf32>,
        %swap3A_55 = vector.shape_cast %swap3A_54 : vector<1x16xf32> to vector<16xf32>
        %swap3A_56 = vector.shape_cast %max3A_52 : vector<16xf32> to vector<1x16xf32>
        tpu.vector_store %arg9[%swap3A, %swap3A_53], %swap3A_56 {strides = array<i32>} : memref<128x128xf32, #tpu.memory_space<vmem>>, vector<1x16xf32>,
        %get3A_57 = arith.index_cast %scan3A_46 : i32 to index
        %get3A_58 = arith.constant 16 : index
        %get3A_59 = tpu.vector_load %arg9[%get3A_57, %get3A_58] {strides = array<i32>} : memref<128x128xf32, #tpu.memory_space<vmem>>, vector<1x16xf32>,
        %get3A_60 = vector.shape_cast %get3A_59 : vector<1x16xf32> to vector<16xf32>
        %max3A_61 = arith.constant 0.000000e+00 : f32
        %max3A_62 = vector.broadcast %max3A_61 : f32 to vector<16xf32>
        %max3A_63 = arith.maximumf %get3A_60, %max3A_62 : vector<16xf32>
        %swap3A_64 = arith.index_cast %scan3A_46 : i32 to index
        %swap3A_65 = arith.constant 16 : index
        %swap3A_66 = tpu.vector_load %arg9[%swap3A_64, %swap3A_65] {strides = array<i32>} : memref<128x128xf32, #tpu.memory_space<vmem>>, vector<1x16xf32>,
        %swap3A_67 = vector.shape_cast %swap3A_66 : vector<1x16xf32> to vector<16xf32>
        %swap3A_68 = vector.shape_cast %max3A_63 : vector<16xf32> to vector<1x16xf32>
        tpu.vector_store %arg9[%swap3A_64, %swap3A_65], %swap3A_68 {strides = array<i32>} : memref<128x128xf32, #tpu.memory_space<vmem>>, vector<1x16xf32>,
        %get3A_69 = arith.index_cast %scan3A_46 : i32 to index
        %get3A_70 = arith.constant 32 : index
        %get3A_71 = tpu.vector_load %arg9[%get3A_69, %get3A_70] {strides = array<i32>} : memref<128x128xf32, #tpu.memory_space<vmem>>, vector<1x16xf32>,
        %get3A_72 = vector.shape_cast %get3A_71 : vector<1x16xf32> to vector<16xf32>
        %max3A_73 = arith.constant 0.000000e+00 : f32
        %max3A_74 = vector.broadcast %max3A_73 : f32 to vector<16xf32>
        %max3A_75 = arith.maximumf %get3A_72, %max3A_74 : vector<16xf32>
        %swap3A_76 = arith.index_cast %scan3A_46 : i32 to index
        %swap3A_77 = arith.constant 32 : index
        %swap3A_78 = tpu.vector_load %arg9[%swap3A_76, %swap3A_77] {strides = array<i32>} : memref<128x128xf32, #tpu.memory_space<vmem>>, vector<1x16xf32>,
        %swap3A_79 = vector.shape_cast %swap3A_78 : vector<1x16xf32> to vector<16xf32>
        %swap3A_80 = vector.shape_cast %max3A_75 : vector<16xf32> to vector<1x16xf32>
        tpu.vector_store %arg9[%swap3A_76, %swap3A_77], %swap3A_80 {strides = array<i32>} : memref<128x128xf32, #tpu.memory_space<vmem>>, vector<1x16xf32>,
        %get3A_81 = arith.index_cast %scan3A_46 : i32 to index
        %get3A_82 = arith.constant 48 : index
        %get3A_83 = tpu.vector_load %arg9[%get3A_81, %get3A_82] {strides = array<i32>} : memref<128x128xf32, #tpu.memory_space<vmem>>, vector<1x16xf32>,
        %get3A_84 = vector.shape_cast %get3A_83 : vector<1x16xf32> to vector<16xf32>
        %max3A_85 = arith.constant 0.000000e+00 : f32
        %max3A_86 = vector.broadcast %max3A_85 : f32 to vector<16xf32>
        %max3A_87 = arith.maximumf %get3A_84, %max3A_86 : vector<16xf32>
        %swap3A_88 = arith.index_cast %scan3A_46 : i32 to index
        %swap3A_89 = arith.constant 48 : index
        %swap3A_90 = tpu.vector_load %arg9[%swap3A_88, %swap3A_89] {strides = array<i32>} : memref<128x128xf32, #tpu.memory_space<vmem>>, vector<1x16xf32>,
        %swap3A_91 = vector.shape_cast %swap3A_90 : vector<1x16xf32> to vector<16xf32>
        %swap3A_92 = vector.shape_cast %max3A_87 : vector<16xf32> to vector<1x16xf32>
        tpu.vector_store %arg9[%swap3A_88, %swap3A_89], %swap3A_92 {strides = array<i32>} : memref<128x128xf32, #tpu.memory_space<vmem>>, vector<1x16xf32>,
        %get3A_93 = arith.index_cast %scan3A_46 : i32 to index
        %get3A_94 = arith.constant 64 : index
        %get3A_95 = tpu.vector_load %arg9[%get3A_93, %get3A_94] {strides = array<i32>} : memref<128x128xf32, #tpu.memory_space<vmem>>, vector<1x16xf32>,
        %get3A_96 = vector.shape_cast %get3A_95 : vector<1x16xf32> to vector<16xf32>
        %max3A_97 = arith.constant 0.000000e+00 : f32
        %max3A_98 = vector.broadcast %max3A_97 : f32 to vector<16xf32>
        %max3A_99 = arith.maximumf %get3A_96, %max3A_98 : vector<16xf32>
        %swap3A_100 = arith.index_cast %scan3A_46 : i32 to index
        %swap3A_101 = arith.constant 64 : index
        %swap3A_102 = tpu.vector_load %arg9[%swap3A_100, %swap3A_101] {strides = array<i32>} : memref<128x128xf32, #tpu.memory_space<vmem>>, vector<1x16xf32>,
        %swap3A_103 = vector.shape_cast %swap3A_102 : vector<1x16xf32> to vector<16xf32>
        %swap3A_104 = vector.shape_cast %max3A_99 : vector<16xf32> to vector<1x16xf32>
        tpu.vector_store %arg9[%swap3A_100, %swap3A_101], %swap3A_104 {strides = array<i32>} : memref<128x128xf32, #tpu.memory_space<vmem>>, vector<1x16xf32>,
        %get3A_105 = arith.index_cast %scan3A_46 : i32 to index
        %get3A_106 = arith.constant 80 : index
        %get3A_107 = tpu.vector_load %arg9[%get3A_105, %get3A_106] {strides = array<i32>} : memref<128x128xf32, #tpu.memory_space<vmem>>, vector<1x16xf32>,
        %get3A_108 = vector.shape_cast %get3A_107 : vector<1x16xf32> to vector<16xf32>
        %max3A_109 = arith.constant 0.000000e+00 : f32
        %max3A_110 = vector.broadcast %max3A_109 : f32 to vector<16xf32>
        %max3A_111 = arith.maximumf %get3A_108, %max3A_110 : vector<16xf32>
        %swap3A_112 = arith.index_cast %scan3A_46 : i32 to index
        %swap3A_113 = arith.constant 80 : index
        %swap3A_114 = tpu.vector_load %arg9[%swap3A_112, %swap3A_113] {strides = array<i32>} : memref<128x128xf32, #tpu.memory_space<vmem>>, vector<1x16xf32>,
        %swap3A_115 = vector.shape_cast %swap3A_114 : vector<1x16xf32> to vector<16xf32>
        %swap3A_116 = vector.shape_cast %max3A_111 : vector<16xf32> to vector<1x16xf32>
        tpu.vector_store %arg9[%swap3A_112, %swap3A_113], %swap3A_116 {strides = array<i32>} : memref<128x128xf32, #tpu.memory_space<vmem>>, vector<1x16xf32>,
        %get3A_117 = arith.index_cast %scan3A_46 : i32 to index
        %get3A_118 = arith.constant 96 : index
        %get3A_119 = tpu.vector_load %arg9[%get3A_117, %get3A_118] {strides = array<i32>} : memref<128x128xf32, #tpu.memory_space<vmem>>, vector<1x16xf32>,
        %get3A_120 = vector.shape_cast %get3A_119 : vector<1x16xf32> to vector<16xf32>
        %max3A_121 = arith.constant 0.000000e+00 : f32
        %max3A_122 = vector.broadcast %max3A_121 : f32 to vector<16xf32>
        %max3A_123 = arith.maximumf %get3A_120, %max3A_122 : vector<16xf32>
        %swap3A_124 = arith.index_cast %scan3A_46 : i32 to index
        %swap3A_125 = arith.constant 96 : index
        %swap3A_126 = tpu.vector_load %arg9[%swap3A_124, %swap3A_125] {strides = array<i32>} : memref<128x128xf32, #tpu.memory_space<vmem>>, vector<1x16xf32>,
        %swap3A_127 = vector.shape_cast %swap3A_126 : vector<1x16xf32> to vector<16xf32>
        %swap3A_128 = vector.shape_cast %max3A_123 : vector<16xf32> to vector<1x16xf32>
        tpu.vector_store %arg9[%swap3A_124, %swap3A_125], %swap3A_128 {strides = array<i32>} : memref<128x128xf32, #tpu.memory_space<vmem>>, vector<1x16xf32>,
        %get3A_129 = arith.index_cast %scan3A_46 : i32 to index
        %get3A_130 = arith.constant 112 : index
        %get3A_131 = tpu.vector_load %arg9[%get3A_129, %get3A_130] {strides = array<i32>} : memref<128x128xf32, #tpu.memory_space<vmem>>, vector<1x16xf32>,
        %get3A_132 = vector.shape_cast %get3A_131 : vector<1x16xf32> to vector<16xf32>
        %max3A_133 = arith.constant 0.000000e+00 : f32
        %max3A_134 = vector.broadcast %max3A_133 : f32 to vector<16xf32>
        %max3A_135 = arith.maximumf %get3A_132, %max3A_134 : vector<16xf32>
        %swap3A_136 = arith.index_cast %scan3A_46 : i32 to index
        %swap3A_137 = arith.constant 112 : index
        %swap3A_138 = tpu.vector_load %arg9[%swap3A_136, %swap3A_137] {strides = array<i32>} : memref<128x128xf32, #tpu.memory_space<vmem>>, vector<1x16xf32>,
        %swap3A_139 = vector.shape_cast %swap3A_138 : vector<1x16xf32> to vector<16xf32>
        %swap3A_140 = vector.shape_cast %max3A_135 : vector<16xf32> to vector<1x16xf32>
        tpu.vector_store %arg9[%swap3A_136, %swap3A_137], %swap3A_140 {strides = array<i32>} : memref<128x128xf32, #tpu.memory_space<vmem>>, vector<1x16xf32>,
        %scan3A_141 = arith.constant 0 : i32
        scf.yield %scan3A_141 : i32
      }
      %scan3A_44 = arith.constant 128 : i32
      "tpu.region"() ({
        %run_scoped3A = tpu.sem_alloc : memref<!tpu.dma_semaphore, #tpu.memory_space<semaphore_mem>>
        %dma_start3A = arith.constant 0 : i32
        %dma_start3A_46 = tpu.memref_slice %arg8[%scan3A_33, %dma_start3A] : memref<79x128xi32, #tpu.memory_space<vmem>> -> memref<1x128xi32, #tpu.memory_space<vmem>>
        %dma_start3A_47 = tpu.memref_squeeze %dma_start3A_46 : memref<1x128xi32, #tpu.memory_space<vmem>> -> memref<128xi32, #tpu.memory_space<vmem>>
        %dma_start3A_48 = arith.constant 0 : i32
        %dma_start3A_49 = arith.constant 0 : i32
        %dma_start3A_50 = tpu.memref_slice %arg10[%dma_start3A_48, %dma_start3A_49] : memref<10008x128xf32, #tpu.memory_space<vmem_shared>> -> memref<10008x128xf32, #tpu.memory_space<vmem_shared>>
        tpu.enqueue_indirect_dma source(%arg9 : memref<128x128xf32, #tpu.memory_space<vmem>>) target(%dma_start3A_50 : memref<10008x128xf32, #tpu.memory_space<vmem_shared>>) offsets(%dma_start3A_47 : memref<128xi32, #tpu.memory_space<vmem>>) semaphore(%run_scoped3A : memref<!tpu.dma_semaphore, #tpu.memory_space<semaphore_mem>>) {add = true}
        %dma_wait3A = arith.constant 0 : i32
        %dma_wait3A_51 = tpu.memref_slice %arg8[%scan3A_33, %dma_wait3A] : memref<79x128xi32, #tpu.memory_space<vmem>> -> memref<1x128xi32, #tpu.memory_space<vmem>>
        %dma_wait3A_52 = tpu.memref_squeeze %dma_wait3A_51 : memref<1x128xi32, #tpu.memory_space<vmem>> -> memref<128xi32, #tpu.memory_space<vmem>>
        %dma_wait3A_53 = arith.constant 0 : i32
        %dma_wait3A_54 = arith.constant 0 : i32
        %dma_wait3A_55 = tpu.memref_slice %arg10[%dma_wait3A_53, %dma_wait3A_54] : memref<10008x128xf32, #tpu.memory_space<vmem_shared>> -> memref<10008x128xf32, #tpu.memory_space<vmem_shared>>
        tpu.wait_indirect_dma semaphore(%run_scoped3A : memref<!tpu.dma_semaphore, #tpu.memory_space<semaphore_mem>>) src(%arg9 : memref<128x128xf32, #tpu.memory_space<vmem>>) dst(%dma_wait3A_55 : memref<10008x128xf32, #tpu.memory_space<vmem_shared>>)
        tpu.yield
      }) : () -> ()
      %scan3A_45 = arith.constant 0 : i32
      scf.yield %scan3A_45 : i32
    }
    %scan3A_21 = arith.constant 79 : i32
    %barrier3A_22 = arith.constant 0 : index
    tpu.barrier barrier_id(%barrier3A_22)
    %lt3A_23 = arith.constant 15 : i32
    %lt3A_24 = arith.cmpi slt, %arg1, %lt3A_23 : i32
    %convert_element_type3A_25 = arith.extui %lt3A_24 : i1 to i32
    %cond3A_26 = arith.constant 0 : i32
    %cond3A_27 = arith.cmpi ne, %convert_element_type3A_25, %cond3A_26 : i32
    scf.if %cond3A_27 {
      %mul3A_33 = arith.constant 632 : i32
      %mul3A_34 = arith.muli %arg1, %mul3A_33 : i32
      "tpu.region"() ({
        %run_scoped3A = tpu.sem_alloc : memref<!tpu.dma_semaphore, #tpu.memory_space<semaphore_mem>>
        %dma_start3A = arith.constant 0 : i32
        %dma_start3A_35 = tpu.memref_slice %arg6[%arg0, %mul3A_34, %dma_start3A] : memref<2x10008x128xf32, #tpu.memory_space<hbm>> -> memref<1x632x128xf32, #tpu.memory_space<hbm>>
        %dma_start3A_36 = tpu.memref_squeeze %dma_start3A_35 : memref<1x632x128xf32, #tpu.memory_space<hbm>> -> memref<632x128xf32, #tpu.memory_space<hbm>>
        %dma_start3A_37 = arith.constant 0 : i32
        %dma_start3A_38 = tpu.memref_slice %arg10[%mul3A_34, %dma_start3A_37] : memref<10008x128xf32, #tpu.memory_space<vmem_shared>> -> memref<632x128xf32, #tpu.memory_space<vmem_shared>>
        tpu.enqueue_dma source(%dma_start3A_38 : memref<632x128xf32, #tpu.memory_space<vmem_shared>>) target(%dma_start3A_36 : memref<632x128xf32, #tpu.memory_space<hbm>>) target_semaphore(%run_scoped3A : memref<!tpu.dma_semaphore, #tpu.memory_space<semaphore_mem>>)
        %dma_wait3A = arith.constant 0 : i32
        %dma_wait3A_39 = tpu.memref_slice %arg6[%arg0, %mul3A_34, %dma_wait3A] : memref<2x10008x128xf32, #tpu.memory_space<hbm>> -> memref<1x632x128xf32, #tpu.memory_space<hbm>>
        %dma_wait3A_40 = tpu.memref_squeeze %dma_wait3A_39 : memref<1x632x128xf32, #tpu.memory_space<hbm>> -> memref<632x128xf32, #tpu.memory_space<hbm>>
        %dma_wait3A_41 = arith.constant 0 : i32
        %dma_wait3A_42 = tpu.memref_slice %arg10[%mul3A_34, %dma_wait3A_41] : memref<10008x128xf32, #tpu.memory_space<vmem_shared>> -> memref<632x128xf32, #tpu.memory_space<vmem_shared>>
        tpu.wait_dma2 semaphore(%run_scoped3A : memref<!tpu.dma_semaphore, #tpu.memory_space<semaphore_mem>>) src(%dma_wait3A_42 : memref<632x128xf32, #tpu.memory_space<vmem_shared>>) dst(%dma_wait3A_40 : memref<632x128xf32, #tpu.memory_space<hbm>>)
        tpu.yield
      }) : () -> ()
    } else {
    }
    %eq3A_28 = arith.constant 15 : i32
    %eq3A_29 = arith.cmpi eq, %arg1, %eq3A_28 : i32
    %convert_element_type3A_30 = arith.extui %eq3A_29 : i1 to i32
    %cond3A_31 = arith.constant 0 : i32
    %cond3A_32 = arith.cmpi ne, %convert_element_type3A_30, %cond3A_31 : i32
    scf.if %cond3A_32 {
      "tpu.region"() ({
        %run_scoped3A = tpu.sem_alloc : memref<!tpu.dma_semaphore, #tpu.memory_space<semaphore_mem>>
        %dma_start3A = arith.constant 9480 : i32
        %dma_start3A_33 = arith.constant 0 : i32
        %dma_start3A_34 = tpu.memref_slice %arg6[%arg0, %dma_start3A, %dma_start3A_33] : memref<2x10008x128xf32, #tpu.memory_space<hbm>> -> memref<1x528x128xf32, #tpu.memory_space<hbm>>
        %dma_start3A_35 = tpu.memref_squeeze %dma_start3A_34 : memref<1x528x128xf32, #tpu.memory_space<hbm>> -> memref<528x128xf32, #tpu.memory_space<hbm>>
        %dma_start3A_36 = arith.constant 9480 : i32
        %dma_start3A_37 = arith.constant 0 : i32
        %dma_start3A_38 = tpu.memref_slice %arg10[%dma_start3A_36, %dma_start3A_37] : memref<10008x128xf32, #tpu.memory_space<vmem_shared>> -> memref<528x128xf32, #tpu.memory_space<vmem_shared>>
        tpu.enqueue_dma source(%dma_start3A_38 : memref<528x128xf32, #tpu.memory_space<vmem_shared>>) target(%dma_start3A_35 : memref<528x128xf32, #tpu.memory_space<hbm>>) target_semaphore(%run_scoped3A : memref<!tpu.dma_semaphore, #tpu.memory_space<semaphore_mem>>)
        %dma_wait3A = arith.constant 9480 : i32
        %dma_wait3A_39 = arith.constant 0 : i32
        %dma_wait3A_40 = tpu.memref_slice %arg6[%arg0, %dma_wait3A, %dma_wait3A_39] : memref<2x10008x128xf32, #tpu.memory_space<hbm>> -> memref<1x528x128xf32, #tpu.memory_space<hbm>>
        %dma_wait3A_41 = tpu.memref_squeeze %dma_wait3A_40 : memref<1x528x128xf32, #tpu.memory_space<hbm>> -> memref<528x128xf32, #tpu.memory_space<hbm>>
        %dma_wait3A_42 = arith.constant 9480 : i32
        %dma_wait3A_43 = arith.constant 0 : i32
        %dma_wait3A_44 = tpu.memref_slice %arg10[%dma_wait3A_42, %dma_wait3A_43] : memref<10008x128xf32, #tpu.memory_space<vmem_shared>> -> memref<528x128xf32, #tpu.memory_space<vmem_shared>>
        tpu.wait_dma2 semaphore(%run_scoped3A : memref<!tpu.dma_semaphore, #tpu.memory_space<semaphore_mem>>) src(%dma_wait3A_44 : memref<528x128xf32, #tpu.memory_space<vmem_shared>>) dst(%dma_wait3A_41 : memref<528x128xf32, #tpu.memory_space<hbm>>)
        tpu.yield
      }) : () -> ()
    } else {
    }
    return
  }
}

#map = affine_map<(d0, d1) -> (0, 0)>
#map1 = affine_map<(d0, d1) -> (0, 0, 0)>
module attributes {stable_mosaic.version = 14 : i64} {
  func.func @conv(%arg0: i32, %arg1: i32, %arg2: memref<10000x128xf32, #tpu.memory_space<hbm>>, %arg3: memref<323584x128xf32, #tpu.memory_space<hbm>>, %arg4: memref<32x79x128xi32, #tpu.memory_space<hbm>>, %arg5: memref<32x79x128xi32, #tpu.memory_space<hbm>>, %arg6: memref<2x10008x128xf32, #tpu.memory_space<hbm>>, %arg7: memref<79x128xi32, #tpu.memory_space<vmem>>, %arg8: memref<79x128xi32, #tpu.memory_space<vmem>>, %arg9: memref<128x128xf32, #tpu.memory_space<vmem>>, %arg10: memref<10008x128xf32, #tpu.memory_space<vmem_shared>>) attributes {dimension_semantics = [#tpu.dimension_semantics<core_parallel>, #tpu.dimension_semantics<subcore_parallel>], iteration_bounds = array<i64: 2, 16>, scalar_prefetch = 0 : i64, scratch_operands = 4 : i64, tpu.core_type = #tpu.core_type<sc_vector_subcore>, window_params = [{transform_indices = #map}, {transform_indices = #map}, {transform_indices = #map1}, {transform_indices = #map1}, {transform_indices = #map1}]} {
    %mul3A = arith.constant 16 : i32
    %mul3A_0 = arith.muli %arg0, %mul3A : i32
    %add3A = arith.addi %mul3A_0, %arg1 : i32
    %scan3A = arith.constant 0 : i32
    %scan3A_1 = arith.constant 0 : i32
    %scan3A_2 = arith.constant 128 : i32
    %scan3A_3 = arith.addi %scan3A_1, %scan3A_2 : i32
    %scan3A_4 = arith.constant 1 : i32
    %scan3A_5 = scf.for %scan3A_33 = %scan3A_1 to %scan3A_3 step %scan3A_4 iter_args(%scan3A_34 = %scan3A) -> (i32)  : i32 {
      %broadcast_in_dim3A = arith.constant 0.000000e+00 : f32
      %broadcast_in_dim3A_35 = vector.broadcast %broadcast_in_dim3A : f32 to vector<16xf32>
      %swap3A = arith.index_cast %scan3A_33 : i32 to index
      %swap3A_36 = arith.constant 0 : index
      %swap3A_37 = tpu.vector_load %arg9[%swap3A, %swap3A_36] {strides = array<i32>} : memref<128x128xf32, #tpu.memory_space<vmem>>, vector<1x16xf32>,
      %swap3A_38 = vector.shape_cast %swap3A_37 : vector<1x16xf32> to vector<16xf32>
      %swap3A_39 = vector.shape_cast %broadcast_in_dim3A_35 : vector<16xf32> to vector<1x16xf32>
      tpu.vector_store %arg9[%swap3A, %swap3A_36], %swap3A_39 {strides = array<i32>} : memref<128x128xf32, #tpu.memory_space<vmem>>, vector<1x16xf32>,
      %broadcast_in_dim3A_40 = arith.constant 0.000000e+00 : f32
      %broadcast_in_dim3A_41 = vector.broadcast %broadcast_in_dim3A_40 : f32 to vector<16xf32>
      %swap3A_42 = arith.index_cast %scan3A_33 : i32 to index
      %swap3A_43 = arith.constant 16 : index
      %swap3A_44 = tpu.vector_load %arg9[%swap3A_42, %swap3A_43] {strides = array<i32>} : memref<128x128xf32, #tpu.memory_space<vmem>>, vector<1x16xf32>,
      %swap3A_45 = vector.shape_cast %swap3A_44 : vector<1x16xf32> to vector<16xf32>
      %swap3A_46 = vector.shape_cast %broadcast_in_dim3A_41 : vector<16xf32> to vector<1x16xf32>
      tpu.vector_store %arg9[%swap3A_42, %swap3A_43], %swap3A_46 {strides = array<i32>} : memref<128x128xf32, #tpu.memory_space<vmem>>, vector<1x16xf32>,
      %broadcast_in_dim3A_47 = arith.constant 0.000000e+00 : f32
      %broadcast_in_dim3A_48 = vector.broadcast %broadcast_in_dim3A_47 : f32 to vector<16xf32>
      %swap3A_49 = arith.index_cast %scan3A_33 : i32 to index
      %swap3A_50 = arith.constant 32 : index
      %swap3A_51 = tpu.vector_load %arg9[%swap3A_49, %swap3A_50] {strides = array<i32>} : memref<128x128xf32, #tpu.memory_space<vmem>>, vector<1x16xf32>,
      %swap3A_52 = vector.shape_cast %swap3A_51 : vector<1x16xf32> to vector<16xf32>
      %swap3A_53 = vector.shape_cast %broadcast_in_dim3A_48 : vector<16xf32> to vector<1x16xf32>
      tpu.vector_store %arg9[%swap3A_49, %swap3A_50], %swap3A_53 {strides = array<i32>} : memref<128x128xf32, #tpu.memory_space<vmem>>, vector<1x16xf32>,
      %broadcast_in_dim3A_54 = arith.constant 0.000000e+00 : f32
      %broadcast_in_dim3A_55 = vector.broadcast %broadcast_in_dim3A_54 : f32 to vector<16xf32>
      %swap3A_56 = arith.index_cast %scan3A_33 : i32 to index
      %swap3A_57 = arith.constant 48 : index
      %swap3A_58 = tpu.vector_load %arg9[%swap3A_56, %swap3A_57] {strides = array<i32>} : memref<128x128xf32, #tpu.memory_space<vmem>>, vector<1x16xf32>,
      %swap3A_59 = vector.shape_cast %swap3A_58 : vector<1x16xf32> to vector<16xf32>
      %swap3A_60 = vector.shape_cast %broadcast_in_dim3A_55 : vector<16xf32> to vector<1x16xf32>
      tpu.vector_store %arg9[%swap3A_56, %swap3A_57], %swap3A_60 {strides = array<i32>} : memref<128x128xf32, #tpu.memory_space<vmem>>, vector<1x16xf32>,
      %broadcast_in_dim3A_61 = arith.constant 0.000000e+00 : f32
      %broadcast_in_dim3A_62 = vector.broadcast %broadcast_in_dim3A_61 : f32 to vector<16xf32>
      %swap3A_63 = arith.index_cast %scan3A_33 : i32 to index
      %swap3A_64 = arith.constant 64 : index
      %swap3A_65 = tpu.vector_load %arg9[%swap3A_63, %swap3A_64] {strides = array<i32>} : memref<128x128xf32, #tpu.memory_space<vmem>>, vector<1x16xf32>,
      %swap3A_66 = vector.shape_cast %swap3A_65 : vector<1x16xf32> to vector<16xf32>
      %swap3A_67 = vector.shape_cast %broadcast_in_dim3A_62 : vector<16xf32> to vector<1x16xf32>
      tpu.vector_store %arg9[%swap3A_63, %swap3A_64], %swap3A_67 {strides = array<i32>} : memref<128x128xf32, #tpu.memory_space<vmem>>, vector<1x16xf32>,
      %broadcast_in_dim3A_68 = arith.constant 0.000000e+00 : f32
      %broadcast_in_dim3A_69 = vector.broadcast %broadcast_in_dim3A_68 : f32 to vector<16xf32>
      %swap3A_70 = arith.index_cast %scan3A_33 : i32 to index
      %swap3A_71 = arith.constant 80 : index
      %swap3A_72 = tpu.vector_load %arg9[%swap3A_70, %swap3A_71] {strides = array<i32>} : memref<128x128xf32, #tpu.memory_space<vmem>>, vector<1x16xf32>,
      %swap3A_73 = vector.shape_cast %swap3A_72 : vector<1x16xf32> to vector<16xf32>
      %swap3A_74 = vector.shape_cast %broadcast_in_dim3A_69 : vector<16xf32> to vector<1x16xf32>
      tpu.vector_store %arg9[%swap3A_70, %swap3A_71], %swap3A_74 {strides = array<i32>} : memref<128x128xf32, #tpu.memory_space<vmem>>, vector<1x16xf32>,
      %broadcast_in_dim3A_75 = arith.constant 0.000000e+00 : f32
      %broadcast_in_dim3A_76 = vector.broadcast %broadcast_in_dim3A_75 : f32 to vector<16xf32>
      %swap3A_77 = arith.index_cast %scan3A_33 : i32 to index
      %swap3A_78 = arith.constant 96 : index
      %swap3A_79 = tpu.vector_load %arg9[%swap3A_77, %swap3A_78] {strides = array<i32>} : memref<128x128xf32, #tpu.memory_space<vmem>>, vector<1x16xf32>,
      %swap3A_80 = vector.shape_cast %swap3A_79 : vector<1x16xf32> to vector<16xf32>
      %swap3A_81 = vector.shape_cast %broadcast_in_dim3A_76 : vector<16xf32> to vector<1x16xf32>
      tpu.vector_store %arg9[%swap3A_77, %swap3A_78], %swap3A_81 {strides = array<i32>} : memref<128x128xf32, #tpu.memory_space<vmem>>, vector<1x16xf32>,
      %broadcast_in_dim3A_82 = arith.constant 0.000000e+00 : f32
      %broadcast_in_dim3A_83 = vector.broadcast %broadcast_in_dim3A_82 : f32 to vector<16xf32>
      %swap3A_84 = arith.index_cast %scan3A_33 : i32 to index
      %swap3A_85 = arith.constant 112 : index
      %swap3A_86 = tpu.vector_load %arg9[%swap3A_84, %swap3A_85] {strides = array<i32>} : memref<128x128xf32, #tpu.memory_space<vmem>>, vector<1x16xf32>,
      %swap3A_87 = vector.shape_cast %swap3A_86 : vector<1x16xf32> to vector<16xf32>
      %swap3A_88 = vector.shape_cast %broadcast_in_dim3A_83 : vector<16xf32> to vector<1x16xf32>
      tpu.vector_store %arg9[%swap3A_84, %swap3A_85], %swap3A_88 {strides = array<i32>} : memref<128x128xf32, #tpu.memory_space<vmem>>, vector<1x16xf32>,
      %scan3A_89 = arith.constant 0 : i32
      scf.yield %scan3A_89 : i32
    }
    %scan3A_6 = arith.constant 128 : i32
    %lt3A = arith.constant 15 : i32
    %lt3A_7 = arith.cmpi slt, %arg1, %lt3A : i32
    %convert_element_type3A = arith.extui %lt3A_7 : i1 to i32
    %cond3A = arith.constant 0 : i32
    %cond3A_8 = arith.cmpi ne, %convert_element_type3A, %cond3A : i32
    scf.if %cond3A_8 {
      %mul3A_33 = arith.constant 632 : i32
      %mul3A_34 = arith.muli %arg1, %mul3A_33 : i32
      %add3A_35 = arith.constant 0 : i32
      %add3A_36 = arith.addi %mul3A_34, %add3A_35 : i32
      "tpu.region"() ({
        %run_scoped3A = tpu.sem_alloc : memref<!tpu.dma_semaphore, #tpu.memory_space<semaphore_mem>>
        %dma_start3A = arith.constant 0 : i32
        %dma_start3A_45 = tpu.memref_slice %arg10[%add3A_36, %dma_start3A] : memref<10008x128xf32, #tpu.memory_space<vmem_shared>> -> memref<128x128xf32, #tpu.memory_space<vmem_shared>>
        %dma_start3A_46 = arith.constant 0 : i32
        %dma_start3A_47 = tpu.memref_slice %arg10[%add3A_36, %dma_start3A_46] : memref<10008x128xf32, #tpu.memory_space<vmem_shared>> -> memref<128x128xf32, #tpu.memory_space<vmem_shared>>
        tpu.enqueue_dma source(%arg9 : memref<128x128xf32, #tpu.memory_space<vmem>>) target(%dma_start3A_47 : memref<128x128xf32, #tpu.memory_space<vmem_shared>>) target_semaphore(%run_scoped3A : memref<!tpu.dma_semaphore, #tpu.memory_space<semaphore_mem>>)
        %dma_wait3A = arith.constant 0 : i32
        %dma_wait3A_48 = tpu.memref_slice %arg10[%add3A_36, %dma_wait3A] : memref<10008x128xf32, #tpu.memory_space<vmem_shared>> -> memref<128x128xf32, #tpu.memory_space<vmem_shared>>
        %dma_wait3A_49 = arith.constant 0 : i32
        %dma_wait3A_50 = tpu.memref_slice %arg10[%add3A_36, %dma_wait3A_49] : memref<10008x128xf32, #tpu.memory_space<vmem_shared>> -> memref<128x128xf32, #tpu.memory_space<vmem_shared>>
        tpu.wait_dma2 semaphore(%run_scoped3A : memref<!tpu.dma_semaphore, #tpu.memory_space<semaphore_mem>>) src(%arg9 : memref<128x128xf32, #tpu.memory_space<vmem>>) dst(%dma_wait3A_50 : memref<128x128xf32, #tpu.memory_space<vmem_shared>>)
        tpu.yield
      }) : () -> ()
      %add3A_37 = arith.constant 128 : i32
      %add3A_38 = arith.addi %mul3A_34, %add3A_37 : i32
      "tpu.region"() ({
        %run_scoped3A = tpu.sem_alloc : memref<!tpu.dma_semaphore, #tpu.memory_space<semaphore_mem>>
        %dma_start3A = arith.constant 0 : i32
        %dma_start3A_45 = tpu.memref_slice %arg10[%add3A_38, %dma_start3A] : memref<10008x128xf32, #tpu.memory_space<vmem_shared>> -> memref<128x128xf32, #tpu.memory_space<vmem_shared>>
        %dma_start3A_46 = arith.constant 0 : i32
        %dma_start3A_47 = tpu.memref_slice %arg10[%add3A_38, %dma_start3A_46] : memref<10008x128xf32, #tpu.memory_space<vmem_shared>> -> memref<128x128xf32, #tpu.memory_space<vmem_shared>>
        tpu.enqueue_dma source(%arg9 : memref<128x128xf32, #tpu.memory_space<vmem>>) target(%dma_start3A_47 : memref<128x128xf32, #tpu.memory_space<vmem_shared>>) target_semaphore(%run_scoped3A : memref<!tpu.dma_semaphore, #tpu.memory_space<semaphore_mem>>)
        %dma_wait3A = arith.constant 0 : i32
        %dma_wait3A_48 = tpu.memref_slice %arg10[%add3A_38, %dma_wait3A] : memref<10008x128xf32, #tpu.memory_space<vmem_shared>> -> memref<128x128xf32, #tpu.memory_space<vmem_shared>>
        %dma_wait3A_49 = arith.constant 0 : i32
        %dma_wait3A_50 = tpu.memref_slice %arg10[%add3A_38, %dma_wait3A_49] : memref<10008x128xf32, #tpu.memory_space<vmem_shared>> -> memref<128x128xf32, #tpu.memory_space<vmem_shared>>
        tpu.wait_dma2 semaphore(%run_scoped3A : memref<!tpu.dma_semaphore, #tpu.memory_space<semaphore_mem>>) src(%arg9 : memref<128x128xf32, #tpu.memory_space<vmem>>) dst(%dma_wait3A_50 : memref<128x128xf32, #tpu.memory_space<vmem_shared>>)
        tpu.yield
      }) : () -> ()
      %add3A_39 = arith.constant 256 : i32
      %add3A_40 = arith.addi %mul3A_34, %add3A_39 : i32
      "tpu.region"() ({
        %run_scoped3A = tpu.sem_alloc : memref<!tpu.dma_semaphore, #tpu.memory_space<semaphore_mem>>
        %dma_start3A = arith.constant 0 : i32
        %dma_start3A_45 = tpu.memref_slice %arg10[%add3A_40, %dma_start3A] : memref<10008x128xf32, #tpu.memory_space<vmem_shared>> -> memref<128x128xf32, #tpu.memory_space<vmem_shared>>
        %dma_start3A_46 = arith.constant 0 : i32
        %dma_start3A_47 = tpu.memref_slice %arg10[%add3A_40, %dma_start3A_46] : memref<10008x128xf32, #tpu.memory_space<vmem_shared>> -> memref<128x128xf32, #tpu.memory_space<vmem_shared>>
        tpu.enqueue_dma source(%arg9 : memref<128x128xf32, #tpu.memory_space<vmem>>) target(%dma_start3A_47 : memref<128x128xf32, #tpu.memory_space<vmem_shared>>) target_semaphore(%run_scoped3A : memref<!tpu.dma_semaphore, #tpu.memory_space<semaphore_mem>>)
        %dma_wait3A = arith.constant 0 : i32
        %dma_wait3A_48 = tpu.memref_slice %arg10[%add3A_40, %dma_wait3A] : memref<10008x128xf32, #tpu.memory_space<vmem_shared>> -> memref<128x128xf32, #tpu.memory_space<vmem_shared>>
        %dma_wait3A_49 = arith.constant 0 : i32
        %dma_wait3A_50 = tpu.memref_slice %arg10[%add3A_40, %dma_wait3A_49] : memref<10008x128xf32, #tpu.memory_space<vmem_shared>> -> memref<128x128xf32, #tpu.memory_space<vmem_shared>>
        tpu.wait_dma2 semaphore(%run_scoped3A : memref<!tpu.dma_semaphore, #tpu.memory_space<semaphore_mem>>) src(%arg9 : memref<128x128xf32, #tpu.memory_space<vmem>>) dst(%dma_wait3A_50 : memref<128x128xf32, #tpu.memory_space<vmem_shared>>)
        tpu.yield
      }) : () -> ()
      %add3A_41 = arith.constant 384 : i32
      %add3A_42 = arith.addi %mul3A_34, %add3A_41 : i32
      "tpu.region"() ({
        %run_scoped3A = tpu.sem_alloc : memref<!tpu.dma_semaphore, #tpu.memory_space<semaphore_mem>>
        %dma_start3A = arith.constant 0 : i32
        %dma_start3A_45 = tpu.memref_slice %arg10[%add3A_42, %dma_start3A] : memref<10008x128xf32, #tpu.memory_space<vmem_shared>> -> memref<128x128xf32, #tpu.memory_space<vmem_shared>>
        %dma_start3A_46 = arith.constant 0 : i32
        %dma_start3A_47 = tpu.memref_slice %arg10[%add3A_42, %dma_start3A_46] : memref<10008x128xf32, #tpu.memory_space<vmem_shared>> -> memref<128x128xf32, #tpu.memory_space<vmem_shared>>
        tpu.enqueue_dma source(%arg9 : memref<128x128xf32, #tpu.memory_space<vmem>>) target(%dma_start3A_47 : memref<128x128xf32, #tpu.memory_space<vmem_shared>>) target_semaphore(%run_scoped3A : memref<!tpu.dma_semaphore, #tpu.memory_space<semaphore_mem>>)
        %dma_wait3A = arith.constant 0 : i32
        %dma_wait3A_48 = tpu.memref_slice %arg10[%add3A_42, %dma_wait3A] : memref<10008x128xf32, #tpu.memory_space<vmem_shared>> -> memref<128x128xf32, #tpu.memory_space<vmem_shared>>
        %dma_wait3A_49 = arith.constant 0 : i32
        %dma_wait3A_50 = tpu.memref_slice %arg10[%add3A_42, %dma_wait3A_49] : memref<10008x128xf32, #tpu.memory_space<vmem_shared>> -> memref<128x128xf32, #tpu.memory_space<vmem_shared>>
        tpu.wait_dma2 semaphore(%run_scoped3A : memref<!tpu.dma_semaphore, #tpu.memory_space<semaphore_mem>>) src(%arg9 : memref<128x128xf32, #tpu.memory_space<vmem>>) dst(%dma_wait3A_50 : memref<128x128xf32, #tpu.memory_space<vmem_shared>>)
        tpu.yield
      }) : () -> ()
      %add3A_43 = arith.constant 512 : i32
      %add3A_44 = arith.addi %mul3A_34, %add3A_43 : i32
      "tpu.region"() ({
        %run_scoped3A = tpu.sem_alloc : memref<!tpu.dma_semaphore, #tpu.memory_space<semaphore_mem>>
        %dma_start3A = arith.constant 0 : i32
        %dma_start3A_45 = arith.constant 0 : i32
        %dma_start3A_46 = tpu.memref_slice %arg9[%dma_start3A, %dma_start3A_45] : memref<128x128xf32, #tpu.memory_space<vmem>> -> memref<120x128xf32, #tpu.memory_space<vmem>>
        %dma_start3A_47 = arith.constant 0 : i32
        %dma_start3A_48 = tpu.memref_slice %arg10[%add3A_44, %dma_start3A_47] : memref<10008x128xf32, #tpu.memory_space<vmem_shared>> -> memref<120x128xf32, #tpu.memory_space<vmem_shared>>
        %dma_start3A_49 = arith.constant 0 : i32
        %dma_start3A_50 = tpu.memref_slice %arg10[%add3A_44, %dma_start3A_49] : memref<10008x128xf32, #tpu.memory_space<vmem_shared>> -> memref<120x128xf32, #tpu.memory_space<vmem_shared>>
        %dma_start3A_51 = arith.constant 0 : i32
        %dma_start3A_52 = arith.constant 0 : i32
        %dma_start3A_53 = tpu.memref_slice %arg9[%dma_start3A_51, %dma_start3A_52] : memref<128x128xf32, #tpu.memory_space<vmem>> -> memref<120x128xf32, #tpu.memory_space<vmem>>
        tpu.enqueue_dma source(%dma_start3A_53 : memref<120x128xf32, #tpu.memory_space<vmem>>) target(%dma_start3A_50 : memref<120x128xf32, #tpu.memory_space<vmem_shared>>) target_semaphore(%run_scoped3A : memref<!tpu.dma_semaphore, #tpu.memory_space<semaphore_mem>>)
        %dma_wait3A = arith.constant 0 : i32
        %dma_wait3A_54 = arith.constant 0 : i32
        %dma_wait3A_55 = tpu.memref_slice %arg9[%dma_wait3A, %dma_wait3A_54] : memref<128x128xf32, #tpu.memory_space<vmem>> -> memref<120x128xf32, #tpu.memory_space<vmem>>
        %dma_wait3A_56 = arith.constant 0 : i32
        %dma_wait3A_57 = tpu.memref_slice %arg10[%add3A_44, %dma_wait3A_56] : memref<10008x128xf32, #tpu.memory_space<vmem_shared>> -> memref<120x128xf32, #tpu.memory_space<vmem_shared>>
        %dma_wait3A_58 = arith.constant 0 : i32
        %dma_wait3A_59 = tpu.memref_slice %arg10[%add3A_44, %dma_wait3A_58] : memref<10008x128xf32, #tpu.memory_space<vmem_shared>> -> memref<120x128xf32, #tpu.memory_space<vmem_shared>>
        %dma_wait3A_60 = arith.constant 0 : i32
        %dma_wait3A_61 = arith.constant 0 : i32
        %dma_wait3A_62 = tpu.memref_slice %arg9[%dma_wait3A_60, %dma_wait3A_61] : memref<128x128xf32, #tpu.memory_space<vmem>> -> memref<120x128xf32, #tpu.memory_space<vmem>>
        tpu.wait_dma2 semaphore(%run_scoped3A : memref<!tpu.dma_semaphore, #tpu.memory_space<semaphore_mem>>) src(%dma_wait3A_62 : memref<120x128xf32, #tpu.memory_space<vmem>>) dst(%dma_wait3A_59 : memref<120x128xf32, #tpu.memory_space<vmem_shared>>)
        tpu.yield
      }) : () -> ()
    } else {
    }
    %eq3A = arith.constant 15 : i32
    %eq3A_9 = arith.cmpi eq, %arg1, %eq3A : i32
    %convert_element_type3A_10 = arith.extui %eq3A_9 : i1 to i32
    %cond3A_11 = arith.constant 0 : i32
    %cond3A_12 = arith.cmpi ne, %convert_element_type3A_10, %cond3A_11 : i32
    scf.if %cond3A_12 {
      "tpu.region"() ({
        %run_scoped3A = tpu.sem_alloc : memref<!tpu.dma_semaphore, #tpu.memory_space<semaphore_mem>>
        %dma_start3A = arith.constant 9480 : i32
        %dma_start3A_33 = arith.constant 0 : i32
        %dma_start3A_34 = tpu.memref_slice %arg10[%dma_start3A, %dma_start3A_33] : memref<10008x128xf32, #tpu.memory_space<vmem_shared>> -> memref<128x128xf32, #tpu.memory_space<vmem_shared>>
        %dma_start3A_35 = arith.constant 9480 : i32
        %dma_start3A_36 = arith.constant 0 : i32
        %dma_start3A_37 = tpu.memref_slice %arg10[%dma_start3A_35, %dma_start3A_36] : memref<10008x128xf32, #tpu.memory_space<vmem_shared>> -> memref<128x128xf32, #tpu.memory_space<vmem_shared>>
        tpu.enqueue_dma source(%arg9 : memref<128x128xf32, #tpu.memory_space<vmem>>) target(%dma_start3A_37 : memref<128x128xf32, #tpu.memory_space<vmem_shared>>) target_semaphore(%run_scoped3A : memref<!tpu.dma_semaphore, #tpu.memory_space<semaphore_mem>>)
        %dma_wait3A = arith.constant 9480 : i32
        %dma_wait3A_38 = arith.constant 0 : i32
        %dma_wait3A_39 = tpu.memref_slice %arg10[%dma_wait3A, %dma_wait3A_38] : memref<10008x128xf32, #tpu.memory_space<vmem_shared>> -> memref<128x128xf32, #tpu.memory_space<vmem_shared>>
        %dma_wait3A_40 = arith.constant 9480 : i32
        %dma_wait3A_41 = arith.constant 0 : i32
        %dma_wait3A_42 = tpu.memref_slice %arg10[%dma_wait3A_40, %dma_wait3A_41] : memref<10008x128xf32, #tpu.memory_space<vmem_shared>> -> memref<128x128xf32, #tpu.memory_space<vmem_shared>>
        tpu.wait_dma2 semaphore(%run_scoped3A : memref<!tpu.dma_semaphore, #tpu.memory_space<semaphore_mem>>) src(%arg9 : memref<128x128xf32, #tpu.memory_space<vmem>>) dst(%dma_wait3A_42 : memref<128x128xf32, #tpu.memory_space<vmem_shared>>)
        tpu.yield
      }) : () -> ()
      "tpu.region"() ({
        %run_scoped3A = tpu.sem_alloc : memref<!tpu.dma_semaphore, #tpu.memory_space<semaphore_mem>>
        %dma_start3A = arith.constant 9608 : i32
        %dma_start3A_33 = arith.constant 0 : i32
        %dma_start3A_34 = tpu.memref_slice %arg10[%dma_start3A, %dma_start3A_33] : memref<10008x128xf32, #tpu.memory_space<vmem_shared>> -> memref<128x128xf32, #tpu.memory_space<vmem_shared>>
        %dma_start3A_35 = arith.constant 9608 : i32
        %dma_start3A_36 = arith.constant 0 : i32
        %dma_start3A_37 = tpu.memref_slice %arg10[%dma_start3A_35, %dma_start3A_36] : memref<10008x128xf32, #tpu.memory_space<vmem_shared>> -> memref<128x128xf32, #tpu.memory_space<vmem_shared>>
        tpu.enqueue_dma source(%arg9 : memref<128x128xf32, #tpu.memory_space<vmem>>) target(%dma_start3A_37 : memref<128x128xf32, #tpu.memory_space<vmem_shared>>) target_semaphore(%run_scoped3A : memref<!tpu.dma_semaphore, #tpu.memory_space<semaphore_mem>>)
        %dma_wait3A = arith.constant 9608 : i32
        %dma_wait3A_38 = arith.constant 0 : i32
        %dma_wait3A_39 = tpu.memref_slice %arg10[%dma_wait3A, %dma_wait3A_38] : memref<10008x128xf32, #tpu.memory_space<vmem_shared>> -> memref<128x128xf32, #tpu.memory_space<vmem_shared>>
        %dma_wait3A_40 = arith.constant 9608 : i32
        %dma_wait3A_41 = arith.constant 0 : i32
        %dma_wait3A_42 = tpu.memref_slice %arg10[%dma_wait3A_40, %dma_wait3A_41] : memref<10008x128xf32, #tpu.memory_space<vmem_shared>> -> memref<128x128xf32, #tpu.memory_space<vmem_shared>>
        tpu.wait_dma2 semaphore(%run_scoped3A : memref<!tpu.dma_semaphore, #tpu.memory_space<semaphore_mem>>) src(%arg9 : memref<128x128xf32, #tpu.memory_space<vmem>>) dst(%dma_wait3A_42 : memref<128x128xf32, #tpu.memory_space<vmem_shared>>)
        tpu.yield
      }) : () -> ()
      "tpu.region"() ({
        %run_scoped3A = tpu.sem_alloc : memref<!tpu.dma_semaphore, #tpu.memory_space<semaphore_mem>>
        %dma_start3A = arith.constant 9736 : i32
        %dma_start3A_33 = arith.constant 0 : i32
        %dma_start3A_34 = tpu.memref_slice %arg10[%dma_start3A, %dma_start3A_33] : memref<10008x128xf32, #tpu.memory_space<vmem_shared>> -> memref<128x128xf32, #tpu.memory_space<vmem_shared>>
        %dma_start3A_35 = arith.constant 9736 : i32
        %dma_start3A_36 = arith.constant 0 : i32
        %dma_start3A_37 = tpu.memref_slice %arg10[%dma_start3A_35, %dma_start3A_36] : memref<10008x128xf32, #tpu.memory_space<vmem_shared>> -> memref<128x128xf32, #tpu.memory_space<vmem_shared>>
        tpu.enqueue_dma source(%arg9 : memref<128x128xf32, #tpu.memory_space<vmem>>) target(%dma_start3A_37 : memref<128x128xf32, #tpu.memory_space<vmem_shared>>) target_semaphore(%run_scoped3A : memref<!tpu.dma_semaphore, #tpu.memory_space<semaphore_mem>>)
        %dma_wait3A = arith.constant 9736 : i32
        %dma_wait3A_38 = arith.constant 0 : i32
        %dma_wait3A_39 = tpu.memref_slice %arg10[%dma_wait3A, %dma_wait3A_38] : memref<10008x128xf32, #tpu.memory_space<vmem_shared>> -> memref<128x128xf32, #tpu.memory_space<vmem_shared>>
        %dma_wait3A_40 = arith.constant 9736 : i32
        %dma_wait3A_41 = arith.constant 0 : i32
        %dma_wait3A_42 = tpu.memref_slice %arg10[%dma_wait3A_40, %dma_wait3A_41] : memref<10008x128xf32, #tpu.memory_space<vmem_shared>> -> memref<128x128xf32, #tpu.memory_space<vmem_shared>>
        tpu.wait_dma2 semaphore(%run_scoped3A : memref<!tpu.dma_semaphore, #tpu.memory_space<semaphore_mem>>) src(%arg9 : memref<128x128xf32, #tpu.memory_space<vmem>>) dst(%dma_wait3A_42 : memref<128x128xf32, #tpu.memory_space<vmem_shared>>)
        tpu.yield
      }) : () -> ()
      "tpu.region"() ({
        %run_scoped3A = tpu.sem_alloc : memref<!tpu.dma_semaphore, #tpu.memory_space<semaphore_mem>>
        %dma_start3A = arith.constant 9864 : i32
        %dma_start3A_33 = arith.constant 0 : i32
        %dma_start3A_34 = tpu.memref_slice %arg10[%dma_start3A, %dma_start3A_33] : memref<10008x128xf32, #tpu.memory_space<vmem_shared>> -> memref<128x128xf32, #tpu.memory_space<vmem_shared>>
        %dma_start3A_35 = arith.constant 9864 : i32
        %dma_start3A_36 = arith.constant 0 : i32
        %dma_start3A_37 = tpu.memref_slice %arg10[%dma_start3A_35, %dma_start3A_36] : memref<10008x128xf32, #tpu.memory_space<vmem_shared>> -> memref<128x128xf32, #tpu.memory_space<vmem_shared>>
        tpu.enqueue_dma source(%arg9 : memref<128x128xf32, #tpu.memory_space<vmem>>) target(%dma_start3A_37 : memref<128x128xf32, #tpu.memory_space<vmem_shared>>) target_semaphore(%run_scoped3A : memref<!tpu.dma_semaphore, #tpu.memory_space<semaphore_mem>>)
        %dma_wait3A = arith.constant 9864 : i32
        %dma_wait3A_38 = arith.constant 0 : i32
        %dma_wait3A_39 = tpu.memref_slice %arg10[%dma_wait3A, %dma_wait3A_38] : memref<10008x128xf32, #tpu.memory_space<vmem_shared>> -> memref<128x128xf32, #tpu.memory_space<vmem_shared>>
        %dma_wait3A_40 = arith.constant 9864 : i32
        %dma_wait3A_41 = arith.constant 0 : i32
        %dma_wait3A_42 = tpu.memref_slice %arg10[%dma_wait3A_40, %dma_wait3A_41] : memref<10008x128xf32, #tpu.memory_space<vmem_shared>> -> memref<128x128xf32, #tpu.memory_space<vmem_shared>>
        tpu.wait_dma2 semaphore(%run_scoped3A : memref<!tpu.dma_semaphore, #tpu.memory_space<semaphore_mem>>) src(%arg9 : memref<128x128xf32, #tpu.memory_space<vmem>>) dst(%dma_wait3A_42 : memref<128x128xf32, #tpu.memory_space<vmem_shared>>)
        tpu.yield
      }) : () -> ()
      "tpu.region"() ({
        %run_scoped3A = tpu.sem_alloc : memref<!tpu.dma_semaphore, #tpu.memory_space<semaphore_mem>>
        %dma_start3A = arith.constant 0 : i32
        %dma_start3A_33 = arith.constant 0 : i32
        %dma_start3A_34 = tpu.memref_slice %arg9[%dma_start3A, %dma_start3A_33] : memref<128x128xf32, #tpu.memory_space<vmem>> -> memref<16x128xf32, #tpu.memory_space<vmem>>
        %dma_start3A_35 = arith.constant 9992 : i32
        %dma_start3A_36 = arith.constant 0 : i32
        %dma_start3A_37 = tpu.memref_slice %arg10[%dma_start3A_35, %dma_start3A_36] : memref<10008x128xf32, #tpu.memory_space<vmem_shared>> -> memref<16x128xf32, #tpu.memory_space<vmem_shared>>
        %dma_start3A_38 = arith.constant 9992 : i32
        %dma_start3A_39 = arith.constant 0 : i32
        %dma_start3A_40 = tpu.memref_slice %arg10[%dma_start3A_38, %dma_start3A_39] : memref<10008x128xf32, #tpu.memory_space<vmem_shared>> -> memref<16x128xf32, #tpu.memory_space<vmem_shared>>
        %dma_start3A_41 = arith.constant 0 : i32
        %dma_start3A_42 = arith.constant 0 : i32
        %dma_start3A_43 = tpu.memref_slice %arg9[%dma_start3A_41, %dma_start3A_42] : memref<128x128xf32, #tpu.memory_space<vmem>> -> memref<16x128xf32, #tpu.memory_space<vmem>>
        tpu.enqueue_dma source(%dma_start3A_43 : memref<16x128xf32, #tpu.memory_space<vmem>>) target(%dma_start3A_40 : memref<16x128xf32, #tpu.memory_space<vmem_shared>>) target_semaphore(%run_scoped3A : memref<!tpu.dma_semaphore, #tpu.memory_space<semaphore_mem>>)
        %dma_wait3A = arith.constant 0 : i32
        %dma_wait3A_44 = arith.constant 0 : i32
        %dma_wait3A_45 = tpu.memref_slice %arg9[%dma_wait3A, %dma_wait3A_44] : memref<128x128xf32, #tpu.memory_space<vmem>> -> memref<16x128xf32, #tpu.memory_space<vmem>>
        %dma_wait3A_46 = arith.constant 9992 : i32
        %dma_wait3A_47 = arith.constant 0 : i32
        %dma_wait3A_48 = tpu.memref_slice %arg10[%dma_wait3A_46, %dma_wait3A_47] : memref<10008x128xf32, #tpu.memory_space<vmem_shared>> -> memref<16x128xf32, #tpu.memory_space<vmem_shared>>
        %dma_wait3A_49 = arith.constant 9992 : i32
        %dma_wait3A_50 = arith.constant 0 : i32
        %dma_wait3A_51 = tpu.memref_slice %arg10[%dma_wait3A_49, %dma_wait3A_50] : memref<10008x128xf32, #tpu.memory_space<vmem_shared>> -> memref<16x128xf32, #tpu.memory_space<vmem_shared>>
        %dma_wait3A_52 = arith.constant 0 : i32
        %dma_wait3A_53 = arith.constant 0 : i32
        %dma_wait3A_54 = tpu.memref_slice %arg9[%dma_wait3A_52, %dma_wait3A_53] : memref<128x128xf32, #tpu.memory_space<vmem>> -> memref<16x128xf32, #tpu.memory_space<vmem>>
        tpu.wait_dma2 semaphore(%run_scoped3A : memref<!tpu.dma_semaphore, #tpu.memory_space<semaphore_mem>>) src(%dma_wait3A_54 : memref<16x128xf32, #tpu.memory_space<vmem>>) dst(%dma_wait3A_51 : memref<16x128xf32, #tpu.memory_space<vmem_shared>>)
        tpu.yield
      }) : () -> ()
    } else {
    }
    "tpu.region"() ({
      %run_scoped3A = tpu.sem_alloc : memref<!tpu.dma_semaphore, #tpu.memory_space<semaphore_mem>>
      %dma_start3A = arith.constant 0 : i32
      %dma_start3A_33 = arith.constant 0 : i32
      %dma_start3A_34 = tpu.memref_slice %arg4[%add3A, %dma_start3A, %dma_start3A_33] : memref<32x79x128xi32, #tpu.memory_space<hbm>> -> memref<1x79x128xi32, #tpu.memory_space<hbm>>
      %dma_start3A_35 = tpu.memref_squeeze %dma_start3A_34 : memref<1x79x128xi32, #tpu.memory_space<hbm>> -> memref<79x128xi32, #tpu.memory_space<hbm>>
      %dma_start3A_36 = arith.constant 0 : i32
      %dma_start3A_37 = arith.constant 0 : i32
      %dma_start3A_38 = tpu.memref_slice %arg4[%add3A, %dma_start3A_36, %dma_start3A_37] : memref<32x79x128xi32, #tpu.memory_space<hbm>> -> memref<1x79x128xi32, #tpu.memory_space<hbm>>
      %dma_start3A_39 = tpu.memref_squeeze %dma_start3A_38 : memref<1x79x128xi32, #tpu.memory_space<hbm>> -> memref<79x128xi32, #tpu.memory_space<hbm>>
      tpu.enqueue_dma source(%dma_start3A_39 : memref<79x128xi32, #tpu.memory_space<hbm>>) target(%arg7 : memref<79x128xi32, #tpu.memory_space<vmem>>) target_semaphore(%run_scoped3A : memref<!tpu.dma_semaphore, #tpu.memory_space<semaphore_mem>>)
      %dma_wait3A = arith.constant 0 : i32
      %dma_wait3A_40 = arith.constant 0 : i32
      %dma_wait3A_41 = tpu.memref_slice %arg4[%add3A, %dma_wait3A, %dma_wait3A_40] : memref<32x79x128xi32, #tpu.memory_space<hbm>> -> memref<1x79x128xi32, #tpu.memory_space<hbm>>
      %dma_wait3A_42 = tpu.memref_squeeze %dma_wait3A_41 : memref<1x79x128xi32, #tpu.memory_space<hbm>> -> memref<79x128xi32, #tpu.memory_space<hbm>>
      %dma_wait3A_43 = arith.constant 0 : i32
      %dma_wait3A_44 = arith.constant 0 : i32
      %dma_wait3A_45 = tpu.memref_slice %arg4[%add3A, %dma_wait3A_43, %dma_wait3A_44] : memref<32x79x128xi32, #tpu.memory_space<hbm>> -> memref<1x79x128xi32, #tpu.memory_space<hbm>>
      %dma_wait3A_46 = tpu.memref_squeeze %dma_wait3A_45 : memref<1x79x128xi32, #tpu.memory_space<hbm>> -> memref<79x128xi32, #tpu.memory_space<hbm>>
      tpu.wait_dma2 semaphore(%run_scoped3A : memref<!tpu.dma_semaphore, #tpu.memory_space<semaphore_mem>>) src(%dma_wait3A_46 : memref<79x128xi32, #tpu.memory_space<hbm>>) dst(%arg7 : memref<79x128xi32, #tpu.memory_space<vmem>>)
      tpu.yield
    }) : () -> ()
    "tpu.region"() ({
      %run_scoped3A = tpu.sem_alloc : memref<!tpu.dma_semaphore, #tpu.memory_space<semaphore_mem>>
      %dma_start3A = arith.constant 0 : i32
      %dma_start3A_33 = arith.constant 0 : i32
      %dma_start3A_34 = tpu.memref_slice %arg5[%add3A, %dma_start3A, %dma_start3A_33] : memref<32x79x128xi32, #tpu.memory_space<hbm>> -> memref<1x79x128xi32, #tpu.memory_space<hbm>>
      %dma_start3A_35 = tpu.memref_squeeze %dma_start3A_34 : memref<1x79x128xi32, #tpu.memory_space<hbm>> -> memref<79x128xi32, #tpu.memory_space<hbm>>
      %dma_start3A_36 = arith.constant 0 : i32
      %dma_start3A_37 = arith.constant 0 : i32
      %dma_start3A_38 = tpu.memref_slice %arg5[%add3A, %dma_start3A_36, %dma_start3A_37] : memref<32x79x128xi32, #tpu.memory_space<hbm>> -> memref<1x79x128xi32, #tpu.memory_space<hbm>>
      %dma_start3A_39 = tpu.memref_squeeze %dma_start3A_38 : memref<1x79x128xi32, #tpu.memory_space<hbm>> -> memref<79x128xi32, #tpu.memory_space<hbm>>
      tpu.enqueue_dma source(%dma_start3A_39 : memref<79x128xi32, #tpu.memory_space<hbm>>) target(%arg8 : memref<79x128xi32, #tpu.memory_space<vmem>>) target_semaphore(%run_scoped3A : memref<!tpu.dma_semaphore, #tpu.memory_space<semaphore_mem>>)
      %dma_wait3A = arith.constant 0 : i32
      %dma_wait3A_40 = arith.constant 0 : i32
      %dma_wait3A_41 = tpu.memref_slice %arg5[%add3A, %dma_wait3A, %dma_wait3A_40] : memref<32x79x128xi32, #tpu.memory_space<hbm>> -> memref<1x79x128xi32, #tpu.memory_space<hbm>>
      %dma_wait3A_42 = tpu.memref_squeeze %dma_wait3A_41 : memref<1x79x128xi32, #tpu.memory_space<hbm>> -> memref<79x128xi32, #tpu.memory_space<hbm>>
      %dma_wait3A_43 = arith.constant 0 : i32
      %dma_wait3A_44 = arith.constant 0 : i32
      %dma_wait3A_45 = tpu.memref_slice %arg5[%add3A, %dma_wait3A_43, %dma_wait3A_44] : memref<32x79x128xi32, #tpu.memory_space<hbm>> -> memref<1x79x128xi32, #tpu.memory_space<hbm>>
      %dma_wait3A_46 = tpu.memref_squeeze %dma_wait3A_45 : memref<1x79x128xi32, #tpu.memory_space<hbm>> -> memref<79x128xi32, #tpu.memory_space<hbm>>
      tpu.wait_dma2 semaphore(%run_scoped3A : memref<!tpu.dma_semaphore, #tpu.memory_space<semaphore_mem>>) src(%dma_wait3A_46 : memref<79x128xi32, #tpu.memory_space<hbm>>) dst(%arg8 : memref<79x128xi32, #tpu.memory_space<vmem>>)
      tpu.yield
    }) : () -> ()
    %barrier3A = arith.constant 0 : index
    tpu.barrier barrier_id(%barrier3A)
    %mul3A_13 = arith.constant 10112 : i32
    %mul3A_14 = arith.muli %add3A, %mul3A_13 : i32
    %scan3A_15 = arith.constant 0 : i32
    %scan3A_16 = arith.constant 0 : i32
    %scan3A_17 = arith.constant 79 : i32
    %scan3A_18 = arith.addi %scan3A_16, %scan3A_17 : i32
    %scan3A_19 = arith.constant 1 : i32
    %scan3A_20 = scf.for %scan3A_33 = %scan3A_16 to %scan3A_18 step %scan3A_19 iter_args(%scan3A_34 = %scan3A_15) -> (i32)  : i32 {
      %mul3A_35 = arith.constant 128 : i32
      %mul3A_36 = arith.muli %scan3A_33, %mul3A_35 : i32
      %add3A_37 = arith.addi %mul3A_14, %mul3A_36 : i32
      "tpu.region"() ({
        %run_scoped3A = tpu.sem_alloc : memref<!tpu.dma_semaphore, #tpu.memory_space<semaphore_mem>>
        %dma_start3A = arith.constant 0 : i32
        %dma_start3A_46 = tpu.memref_slice %arg3[%add3A_37, %dma_start3A] : memref<323584x128xf32, #tpu.memory_space<hbm>> -> memref<128x128xf32, #tpu.memory_space<hbm>>
        %dma_start3A_47 = arith.constant 0 : i32
        %dma_start3A_48 = tpu.memref_slice %arg3[%add3A_37, %dma_start3A_47] : memref<323584x128xf32, #tpu.memory_space<hbm>> -> memref<128x128xf32, #tpu.memory_space<hbm>>
        tpu.enqueue_dma source(%dma_start3A_48 : memref<128x128xf32, #tpu.memory_space<hbm>>) target(%arg9 : memref<128x128xf32, #tpu.memory_space<vmem>>) target_semaphore(%run_scoped3A : memref<!tpu.dma_semaphore, #tpu.memory_space<semaphore_mem>>)
        %dma_wait3A = arith.constant 0 : i32
        %dma_wait3A_49 = tpu.memref_slice %arg3[%add3A_37, %dma_wait3A] : memref<323584x128xf32, #tpu.memory_space<hbm>> -> memref<128x128xf32, #tpu.memory_space<hbm>>
        %dma_wait3A_50 = arith.constant 0 : i32
        %dma_wait3A_51 = tpu.memref_slice %arg3[%add3A_37, %dma_wait3A_50] : memref<323584x128xf32, #tpu.memory_space<hbm>> -> memref<128x128xf32, #tpu.memory_space<hbm>>
        tpu.wait_dma2 semaphore(%run_scoped3A : memref<!tpu.dma_semaphore, #tpu.memory_space<semaphore_mem>>) src(%dma_wait3A_51 : memref<128x128xf32, #tpu.memory_space<hbm>>) dst(%arg9 : memref<128x128xf32, #tpu.memory_space<vmem>>)
        tpu.yield
      }) : () -> ()
      "tpu.region"() ({
        %run_scoped3A = tpu.sem_alloc : memref<!tpu.dma_semaphore, #tpu.memory_space<semaphore_mem>>
        %dma_start3A = arith.constant 0 : i32
        %dma_start3A_46 = tpu.memref_slice %arg7[%scan3A_33, %dma_start3A] : memref<79x128xi32, #tpu.memory_space<vmem>> -> memref<1x128xi32, #tpu.memory_space<vmem>>
        %dma_start3A_47 = tpu.memref_squeeze %dma_start3A_46 : memref<1x128xi32, #tpu.memory_space<vmem>> -> memref<128xi32, #tpu.memory_space<vmem>>
        %dma_start3A_48 = arith.constant 0 : i32
        %dma_start3A_49 = arith.constant 0 : i32
        %dma_start3A_50 = tpu.memref_slice %arg2[%dma_start3A_48, %dma_start3A_49] : memref<10000x128xf32, #tpu.memory_space<hbm>> -> memref<10000x128xf32, #tpu.memory_space<hbm>>
        tpu.enqueue_indirect_dma source(%dma_start3A_50 : memref<10000x128xf32, #tpu.memory_space<hbm>>) target(%arg9 : memref<128x128xf32, #tpu.memory_space<vmem>>) offsets(%dma_start3A_47 : memref<128xi32, #tpu.memory_space<vmem>>) semaphore(%run_scoped3A : memref<!tpu.dma_semaphore, #tpu.memory_space<semaphore_mem>>) {add = true}
        %dma_wait3A = arith.constant 0 : i32
        %dma_wait3A_51 = tpu.memref_slice %arg7[%scan3A_33, %dma_wait3A] : memref<79x128xi32, #tpu.memory_space<vmem>> -> memref<1x128xi32, #tpu.memory_space<vmem>>
        %dma_wait3A_52 = tpu.memref_squeeze %dma_wait3A_51 : memref<1x128xi32, #tpu.memory_space<vmem>> -> memref<128xi32, #tpu.memory_space<vmem>>
        %dma_wait3A_53 = arith.constant 0 : i32
        %dma_wait3A_54 = arith.constant 0 : i32
        %dma_wait3A_55 = tpu.memref_slice %arg2[%dma_wait3A_53, %dma_wait3A_54] : memref<10000x128xf32, #tpu.memory_space<hbm>> -> memref<10000x128xf32, #tpu.memory_space<hbm>>
        tpu.wait_indirect_dma semaphore(%run_scoped3A : memref<!tpu.dma_semaphore, #tpu.memory_space<semaphore_mem>>) src(%dma_wait3A_55 : memref<10000x128xf32, #tpu.memory_space<hbm>>) dst(%arg9 : memref<128x128xf32, #tpu.memory_space<vmem>>)
        tpu.yield
      }) : () -> ()
      %scan3A_38 = arith.constant 0 : i32
      %scan3A_39 = arith.constant 0 : i32
      %scan3A_40 = arith.constant 128 : i32
      %scan3A_41 = arith.addi %scan3A_39, %scan3A_40 : i32
      %scan3A_42 = arith.constant 1 : i32
      %scan3A_43 = scf.for %scan3A_46 = %scan3A_39 to %scan3A_41 step %scan3A_42 iter_args(%scan3A_47 = %scan3A_38) -> (i32)  : i32 {
        %get3A = arith.index_cast %scan3A_46 : i32 to index
        %get3A_48 = arith.constant 0 : index
        %get3A_49 = tpu.vector_load %arg9[%get3A, %get3A_48] {strides = array<i32>} : memref<128x128xf32, #tpu.memory_space<vmem>>, vector<1x16xf32>,
        %get3A_50 = vector.shape_cast %get3A_49 : vector<1x16xf32> to vector<16xf32>
        %max3A = arith.constant 0.000000e+00 : f32
        %max3A_51 = vector.broadcast %max3A : f32 to vector<16xf32>
        %max3A_52 = arith.maximumf %get3A_50, %max3A_51 : vector<16xf32>
        %swap3A = arith.index_cast %scan3A_46 : i32 to index
        %swap3A_53 = arith.constant 0 : index
        %swap3A_54 = tpu.vector_load %arg9[%swap3A, %swap3A_53] {strides = array<i32>} : memref<128x128xf32, #tpu.memory_space<vmem>>, vector<1x16xf32>,
        %swap3A_55 = vector.shape_cast %swap3A_54 : vector<1x16xf32> to vector<16xf32>
        %swap3A_56 = vector.shape_cast %max3A_52 : vector<16xf32> to vector<1x16xf32>
        tpu.vector_store %arg9[%swap3A, %swap3A_53], %swap3A_56 {strides = array<i32>} : memref<128x128xf32, #tpu.memory_space<vmem>>, vector<1x16xf32>,
        %get3A_57 = arith.index_cast %scan3A_46 : i32 to index
        %get3A_58 = arith.constant 16 : index
        %get3A_59 = tpu.vector_load %arg9[%get3A_57, %get3A_58] {strides = array<i32>} : memref<128x128xf32, #tpu.memory_space<vmem>>, vector<1x16xf32>,
        %get3A_60 = vector.shape_cast %get3A_59 : vector<1x16xf32> to vector<16xf32>
        %max3A_61 = arith.constant 0.000000e+00 : f32
        %max3A_62 = vector.broadcast %max3A_61 : f32 to vector<16xf32>
        %max3A_63 = arith.maximumf %get3A_60, %max3A_62 : vector<16xf32>
        %swap3A_64 = arith.index_cast %scan3A_46 : i32 to index
        %swap3A_65 = arith.constant 16 : index
        %swap3A_66 = tpu.vector_load %arg9[%swap3A_64, %swap3A_65] {strides = array<i32>} : memref<128x128xf32, #tpu.memory_space<vmem>>, vector<1x16xf32>,
        %swap3A_67 = vector.shape_cast %swap3A_66 : vector<1x16xf32> to vector<16xf32>
        %swap3A_68 = vector.shape_cast %max3A_63 : vector<16xf32> to vector<1x16xf32>
        tpu.vector_store %arg9[%swap3A_64, %swap3A_65], %swap3A_68 {strides = array<i32>} : memref<128x128xf32, #tpu.memory_space<vmem>>, vector<1x16xf32>,
        %get3A_69 = arith.index_cast %scan3A_46 : i32 to index
        %get3A_70 = arith.constant 32 : index
        %get3A_71 = tpu.vector_load %arg9[%get3A_69, %get3A_70] {strides = array<i32>} : memref<128x128xf32, #tpu.memory_space<vmem>>, vector<1x16xf32>,
        %get3A_72 = vector.shape_cast %get3A_71 : vector<1x16xf32> to vector<16xf32>
        %max3A_73 = arith.constant 0.000000e+00 : f32
        %max3A_74 = vector.broadcast %max3A_73 : f32 to vector<16xf32>
        %max3A_75 = arith.maximumf %get3A_72, %max3A_74 : vector<16xf32>
        %swap3A_76 = arith.index_cast %scan3A_46 : i32 to index
        %swap3A_77 = arith.constant 32 : index
        %swap3A_78 = tpu.vector_load %arg9[%swap3A_76, %swap3A_77] {strides = array<i32>} : memref<128x128xf32, #tpu.memory_space<vmem>>, vector<1x16xf32>,
        %swap3A_79 = vector.shape_cast %swap3A_78 : vector<1x16xf32> to vector<16xf32>
        %swap3A_80 = vector.shape_cast %max3A_75 : vector<16xf32> to vector<1x16xf32>
        tpu.vector_store %arg9[%swap3A_76, %swap3A_77], %swap3A_80 {strides = array<i32>} : memref<128x128xf32, #tpu.memory_space<vmem>>, vector<1x16xf32>,
        %get3A_81 = arith.index_cast %scan3A_46 : i32 to index
        %get3A_82 = arith.constant 48 : index
        %get3A_83 = tpu.vector_load %arg9[%get3A_81, %get3A_82] {strides = array<i32>} : memref<128x128xf32, #tpu.memory_space<vmem>>, vector<1x16xf32>,
        %get3A_84 = vector.shape_cast %get3A_83 : vector<1x16xf32> to vector<16xf32>
        %max3A_85 = arith.constant 0.000000e+00 : f32
        %max3A_86 = vector.broadcast %max3A_85 : f32 to vector<16xf32>
        %max3A_87 = arith.maximumf %get3A_84, %max3A_86 : vector<16xf32>
        %swap3A_88 = arith.index_cast %scan3A_46 : i32 to index
        %swap3A_89 = arith.constant 48 : index
        %swap3A_90 = tpu.vector_load %arg9[%swap3A_88, %swap3A_89] {strides = array<i32>} : memref<128x128xf32, #tpu.memory_space<vmem>>, vector<1x16xf32>,
        %swap3A_91 = vector.shape_cast %swap3A_90 : vector<1x16xf32> to vector<16xf32>
        %swap3A_92 = vector.shape_cast %max3A_87 : vector<16xf32> to vector<1x16xf32>
        tpu.vector_store %arg9[%swap3A_88, %swap3A_89], %swap3A_92 {strides = array<i32>} : memref<128x128xf32, #tpu.memory_space<vmem>>, vector<1x16xf32>,
        %get3A_93 = arith.index_cast %scan3A_46 : i32 to index
        %get3A_94 = arith.constant 64 : index
        %get3A_95 = tpu.vector_load %arg9[%get3A_93, %get3A_94] {strides = array<i32>} : memref<128x128xf32, #tpu.memory_space<vmem>>, vector<1x16xf32>,
        %get3A_96 = vector.shape_cast %get3A_95 : vector<1x16xf32> to vector<16xf32>
        %max3A_97 = arith.constant 0.000000e+00 : f32
        %max3A_98 = vector.broadcast %max3A_97 : f32 to vector<16xf32>
        %max3A_99 = arith.maximumf %get3A_96, %max3A_98 : vector<16xf32>
        %swap3A_100 = arith.index_cast %scan3A_46 : i32 to index
        %swap3A_101 = arith.constant 64 : index
        %swap3A_102 = tpu.vector_load %arg9[%swap3A_100, %swap3A_101] {strides = array<i32>} : memref<128x128xf32, #tpu.memory_space<vmem>>, vector<1x16xf32>,
        %swap3A_103 = vector.shape_cast %swap3A_102 : vector<1x16xf32> to vector<16xf32>
        %swap3A_104 = vector.shape_cast %max3A_99 : vector<16xf32> to vector<1x16xf32>
        tpu.vector_store %arg9[%swap3A_100, %swap3A_101], %swap3A_104 {strides = array<i32>} : memref<128x128xf32, #tpu.memory_space<vmem>>, vector<1x16xf32>,
        %get3A_105 = arith.index_cast %scan3A_46 : i32 to index
        %get3A_106 = arith.constant 80 : index
        %get3A_107 = tpu.vector_load %arg9[%get3A_105, %get3A_106] {strides = array<i32>} : memref<128x128xf32, #tpu.memory_space<vmem>>, vector<1x16xf32>,
        %get3A_108 = vector.shape_cast %get3A_107 : vector<1x16xf32> to vector<16xf32>
        %max3A_109 = arith.constant 0.000000e+00 : f32
        %max3A_110 = vector.broadcast %max3A_109 : f32 to vector<16xf32>
        %max3A_111 = arith.maximumf %get3A_108, %max3A_110 : vector<16xf32>
        %swap3A_112 = arith.index_cast %scan3A_46 : i32 to index
        %swap3A_113 = arith.constant 80 : index
        %swap3A_114 = tpu.vector_load %arg9[%swap3A_112, %swap3A_113] {strides = array<i32>} : memref<128x128xf32, #tpu.memory_space<vmem>>, vector<1x16xf32>,
        %swap3A_115 = vector.shape_cast %swap3A_114 : vector<1x16xf32> to vector<16xf32>
        %swap3A_116 = vector.shape_cast %max3A_111 : vector<16xf32> to vector<1x16xf32>
        tpu.vector_store %arg9[%swap3A_112, %swap3A_113], %swap3A_116 {strides = array<i32>} : memref<128x128xf32, #tpu.memory_space<vmem>>, vector<1x16xf32>,
        %get3A_117 = arith.index_cast %scan3A_46 : i32 to index
        %get3A_118 = arith.constant 96 : index
        %get3A_119 = tpu.vector_load %arg9[%get3A_117, %get3A_118] {strides = array<i32>} : memref<128x128xf32, #tpu.memory_space<vmem>>, vector<1x16xf32>,
        %get3A_120 = vector.shape_cast %get3A_119 : vector<1x16xf32> to vector<16xf32>
        %max3A_121 = arith.constant 0.000000e+00 : f32
        %max3A_122 = vector.broadcast %max3A_121 : f32 to vector<16xf32>
        %max3A_123 = arith.maximumf %get3A_120, %max3A_122 : vector<16xf32>
        %swap3A_124 = arith.index_cast %scan3A_46 : i32 to index
        %swap3A_125 = arith.constant 96 : index
        %swap3A_126 = tpu.vector_load %arg9[%swap3A_124, %swap3A_125] {strides = array<i32>} : memref<128x128xf32, #tpu.memory_space<vmem>>, vector<1x16xf32>,
        %swap3A_127 = vector.shape_cast %swap3A_126 : vector<1x16xf32> to vector<16xf32>
        %swap3A_128 = vector.shape_cast %max3A_123 : vector<16xf32> to vector<1x16xf32>
        tpu.vector_store %arg9[%swap3A_124, %swap3A_125], %swap3A_128 {strides = array<i32>} : memref<128x128xf32, #tpu.memory_space<vmem>>, vector<1x16xf32>,
        %get3A_129 = arith.index_cast %scan3A_46 : i32 to index
        %get3A_130 = arith.constant 112 : index
        %get3A_131 = tpu.vector_load %arg9[%get3A_129, %get3A_130] {strides = array<i32>} : memref<128x128xf32, #tpu.memory_space<vmem>>, vector<1x16xf32>,
        %get3A_132 = vector.shape_cast %get3A_131 : vector<1x16xf32> to vector<16xf32>
        %max3A_133 = arith.constant 0.000000e+00 : f32
        %max3A_134 = vector.broadcast %max3A_133 : f32 to vector<16xf32>
        %max3A_135 = arith.maximumf %get3A_132, %max3A_134 : vector<16xf32>
        %swap3A_136 = arith.index_cast %scan3A_46 : i32 to index
        %swap3A_137 = arith.constant 112 : index
        %swap3A_138 = tpu.vector_load %arg9[%swap3A_136, %swap3A_137] {strides = array<i32>} : memref<128x128xf32, #tpu.memory_space<vmem>>, vector<1x16xf32>,
        %swap3A_139 = vector.shape_cast %swap3A_138 : vector<1x16xf32> to vector<16xf32>
        %swap3A_140 = vector.shape_cast %max3A_135 : vector<16xf32> to vector<1x16xf32>
        tpu.vector_store %arg9[%swap3A_136, %swap3A_137], %swap3A_140 {strides = array<i32>} : memref<128x128xf32, #tpu.memory_space<vmem>>, vector<1x16xf32>,
        %scan3A_141 = arith.constant 0 : i32
        scf.yield %scan3A_141 : i32
      }
      %scan3A_44 = arith.constant 128 : i32
      "tpu.region"() ({
        %run_scoped3A = tpu.sem_alloc : memref<!tpu.dma_semaphore, #tpu.memory_space<semaphore_mem>>
        %dma_start3A = arith.constant 0 : i32
        %dma_start3A_46 = tpu.memref_slice %arg8[%scan3A_33, %dma_start3A] : memref<79x128xi32, #tpu.memory_space<vmem>> -> memref<1x128xi32, #tpu.memory_space<vmem>>
        %dma_start3A_47 = tpu.memref_squeeze %dma_start3A_46 : memref<1x128xi32, #tpu.memory_space<vmem>> -> memref<128xi32, #tpu.memory_space<vmem>>
        %dma_start3A_48 = arith.constant 0 : i32
        %dma_start3A_49 = arith.constant 0 : i32
        %dma_start3A_50 = tpu.memref_slice %arg10[%dma_start3A_48, %dma_start3A_49] : memref<10008x128xf32, #tpu.memory_space<vmem_shared>> -> memref<10008x128xf32, #tpu.memory_space<vmem_shared>>
        tpu.enqueue_indirect_dma source(%arg9 : memref<128x128xf32, #tpu.memory_space<vmem>>) target(%dma_start3A_50 : memref<10008x128xf32, #tpu.memory_space<vmem_shared>>) offsets(%dma_start3A_47 : memref<128xi32, #tpu.memory_space<vmem>>) semaphore(%run_scoped3A : memref<!tpu.dma_semaphore, #tpu.memory_space<semaphore_mem>>) {add = true}
        %dma_wait3A = arith.constant 0 : i32
        %dma_wait3A_51 = tpu.memref_slice %arg8[%scan3A_33, %dma_wait3A] : memref<79x128xi32, #tpu.memory_space<vmem>> -> memref<1x128xi32, #tpu.memory_space<vmem>>
        %dma_wait3A_52 = tpu.memref_squeeze %dma_wait3A_51 : memref<1x128xi32, #tpu.memory_space<vmem>> -> memref<128xi32, #tpu.memory_space<vmem>>
        %dma_wait3A_53 = arith.constant 0 : i32
        %dma_wait3A_54 = arith.constant 0 : i32
        %dma_wait3A_55 = tpu.memref_slice %arg10[%dma_wait3A_53, %dma_wait3A_54] : memref<10008x128xf32, #tpu.memory_space<vmem_shared>> -> memref<10008x128xf32, #tpu.memory_space<vmem_shared>>
        tpu.wait_indirect_dma semaphore(%run_scoped3A : memref<!tpu.dma_semaphore, #tpu.memory_space<semaphore_mem>>) src(%arg9 : memref<128x128xf32, #tpu.memory_space<vmem>>) dst(%dma_wait3A_55 : memref<10008x128xf32, #tpu.memory_space<vmem_shared>>)
        tpu.yield
      }) : () -> ()
      %scan3A_45 = arith.constant 0 : i32
      scf.yield %scan3A_45 : i32
    }
    %scan3A_21 = arith.constant 79 : i32
    %barrier3A_22 = arith.constant 0 : index
    tpu.barrier barrier_id(%barrier3A_22)
    %lt3A_23 = arith.constant 15 : i32
    %lt3A_24 = arith.cmpi slt, %arg1, %lt3A_23 : i32
    %convert_element_type3A_25 = arith.extui %lt3A_24 : i1 to i32
    %cond3A_26 = arith.constant 0 : i32
    %cond3A_27 = arith.cmpi ne, %convert_element_type3A_25, %cond3A_26 : i32
    scf.if %cond3A_27 {
      %mul3A_33 = arith.constant 632 : i32
      %mul3A_34 = arith.muli %arg1, %mul3A_33 : i32
      "tpu.region"() ({
        %run_scoped3A = tpu.sem_alloc : memref<!tpu.dma_semaphore, #tpu.memory_space<semaphore_mem>>
        %dma_start3A = arith.constant 0 : i32
        %dma_start3A_35 = tpu.memref_slice %arg6[%arg0, %mul3A_34, %dma_start3A] : memref<2x10008x128xf32, #tpu.memory_space<hbm>> -> memref<1x632x128xf32, #tpu.memory_space<hbm>>
        %dma_start3A_36 = tpu.memref_squeeze %dma_start3A_35 : memref<1x632x128xf32, #tpu.memory_space<hbm>> -> memref<632x128xf32, #tpu.memory_space<hbm>>
        %dma_start3A_37 = arith.constant 0 : i32
        %dma_start3A_38 = tpu.memref_slice %arg10[%mul3A_34, %dma_start3A_37] : memref<10008x128xf32, #tpu.memory_space<vmem_shared>> -> memref<632x128xf32, #tpu.memory_space<vmem_shared>>
        tpu.enqueue_dma source(%dma_start3A_38 : memref<632x128xf32, #tpu.memory_space<vmem_shared>>) target(%dma_start3A_36 : memref<632x128xf32, #tpu.memory_space<hbm>>) target_semaphore(%run_scoped3A : memref<!tpu.dma_semaphore, #tpu.memory_space<semaphore_mem>>)
        %dma_wait3A = arith.constant 0 : i32
        %dma_wait3A_39 = tpu.memref_slice %arg6[%arg0, %mul3A_34, %dma_wait3A] : memref<2x10008x128xf32, #tpu.memory_space<hbm>> -> memref<1x632x128xf32, #tpu.memory_space<hbm>>
        %dma_wait3A_40 = tpu.memref_squeeze %dma_wait3A_39 : memref<1x632x128xf32, #tpu.memory_space<hbm>> -> memref<632x128xf32, #tpu.memory_space<hbm>>
        %dma_wait3A_41 = arith.constant 0 : i32
        %dma_wait3A_42 = tpu.memref_slice %arg10[%mul3A_34, %dma_wait3A_41] : memref<10008x128xf32, #tpu.memory_space<vmem_shared>> -> memref<632x128xf32, #tpu.memory_space<vmem_shared>>
        tpu.wait_dma2 semaphore(%run_scoped3A : memref<!tpu.dma_semaphore, #tpu.memory_space<semaphore_mem>>) src(%dma_wait3A_42 : memref<632x128xf32, #tpu.memory_space<vmem_shared>>) dst(%dma_wait3A_40 : memref<632x128xf32, #tpu.memory_space<hbm>>)
        tpu.yield
      }) : () -> ()
    } else {
    }
    %eq3A_28 = arith.constant 15 : i32
    %eq3A_29 = arith.cmpi eq, %arg1, %eq3A_28 : i32
    %convert_element_type3A_30 = arith.extui %eq3A_29 : i1 to i32
    %cond3A_31 = arith.constant 0 : i32
    %cond3A_32 = arith.cmpi ne, %convert_element_type3A_30, %cond3A_31 : i32
    scf.if %cond3A_32 {
      "tpu.region"() ({
        %run_scoped3A = tpu.sem_alloc : memref<!tpu.dma_semaphore, #tpu.memory_space<semaphore_mem>>
        %dma_start3A = arith.constant 9480 : i32
        %dma_start3A_33 = arith.constant 0 : i32
        %dma_start3A_34 = tpu.memref_slice %arg6[%arg0, %dma_start3A, %dma_start3A_33] : memref<2x10008x128xf32, #tpu.memory_space<hbm>> -> memref<1x528x128xf32, #tpu.memory_space<hbm>>
        %dma_start3A_35 = tpu.memref_squeeze %dma_start3A_34 : memref<1x528x128xf32, #tpu.memory_space<hbm>> -> memref<528x128xf32, #tpu.memory_space<hbm>>
        %dma_start3A_36 = arith.constant 9480 : i32
        %dma_start3A_37 = arith.constant 0 : i32
        %dma_start3A_38 = tpu.memref_slice %arg10[%dma_start3A_36, %dma_start3A_37] : memref<10008x128xf32, #tpu.memory_space<vmem_shared>> -> memref<528x128xf32, #tpu.memory_space<vmem_shared>>
        tpu.enqueue_dma source(%dma_start3A_38 : memref<528x128xf32, #tpu.memory_space<vmem_shared>>) target(%dma_start3A_35 : memref<528x128xf32, #tpu.memory_space<hbm>>) target_semaphore(%run_scoped3A : memref<!tpu.dma_semaphore, #tpu.memory_space<semaphore_mem>>)
        %dma_wait3A = arith.constant 9480 : i32
        %dma_wait3A_39 = arith.constant 0 : i32
        %dma_wait3A_40 = tpu.memref_slice %arg6[%arg0, %dma_wait3A, %dma_wait3A_39] : memref<2x10008x128xf32, #tpu.memory_space<hbm>> -> memref<1x528x128xf32, #tpu.memory_space<hbm>>
        %dma_wait3A_41 = tpu.memref_squeeze %dma_wait3A_40 : memref<1x528x128xf32, #tpu.memory_space<hbm>> -> memref<528x128xf32, #tpu.memory_space<hbm>>
        %dma_wait3A_42 = arith.constant 9480 : i32
        %dma_wait3A_43 = arith.constant 0 : i32
        %dma_wait3A_44 = tpu.memref_slice %arg10[%dma_wait3A_42, %dma_wait3A_43] : memref<10008x128xf32, #tpu.memory_space<vmem_shared>> -> memref<528x128xf32, #tpu.memory_space<vmem_shared>>
        tpu.wait_dma2 semaphore(%run_scoped3A : memref<!tpu.dma_semaphore, #tpu.memory_space<semaphore_mem>>) src(%dma_wait3A_44 : memref<528x128xf32, #tpu.memory_space<vmem_shared>>) dst(%dma_wait3A_41 : memref<528x128xf32, #tpu.memory_space<hbm>>)
        tpu.yield
      }) : () -> ()
    } else {
    }
    return
  }
}

module attributes {stable_mosaic.version = 14 : i64} {
  func.func @body(%arg0: i32, %arg1: memref<5056x16xf32, #tpu.memory_space<vmem>>, %arg2: memref<16x128xf32, #tpu.memory_space<vmem>>, %arg3: memref<1x128xf32, #tpu.memory_space<vmem>>, %arg4: memref<16x128xf32, #tpu.memory_space<vmem>>, %arg5: memref<1x128xf32, #tpu.memory_space<vmem>>, %arg6: memref<5056x128xf32, #tpu.memory_space<vmem>>, %arg7: memref<5056x128xf32, #tpu.memory_space<vmem>>) attributes {dimension_semantics = [#tpu.dimension_semantics<arbitrary>], iteration_bounds = array<i64: 64>, scalar_prefetch = 0 : i64, scratch_operands = 0 : i64, tpu.core_type = #tpu.core_type<tc>, window_params = [{transform_indices = @transform_0, window_bounds = array<i64: 5056, 16>}, {pipeline_mode = #tpu.pipeline_mode<synchronous>, transform_indices = @transform_1, window_bounds = array<i64: 16, 128>}, {pipeline_mode = #tpu.pipeline_mode<synchronous>, transform_indices = @transform_2, window_bounds = array<i64: 1, 128>}, {pipeline_mode = #tpu.pipeline_mode<synchronous>, transform_indices = @transform_3, window_bounds = array<i64: 16, 128>}, {pipeline_mode = #tpu.pipeline_mode<synchronous>, transform_indices = @transform_4, window_bounds = array<i64: 1, 128>}, {transform_indices = @transform_5, window_bounds = array<i64: 5056, 128>}, {transform_indices = @transform_6, window_bounds = array<i64: 5056, 128>}]} {
    %get3A = arith.constant 0 : index
    %get3A_0 = arith.constant 0 : index
    %get3A_1 = vector.load %arg1[%get3A, %get3A_0] : memref<5056x16xf32, #tpu.memory_space<vmem>>, vector<5056x16xf32>
    %get3A_2 = arith.constant 0 : index
    %get3A_3 = arith.constant 0 : index
    %get3A_4 = vector.load %arg2[%get3A_2, %get3A_3] : memref<16x128xf32, #tpu.memory_space<vmem>>, vector<16x128xf32>
    %dot_general3A = arith.constant dense<0.000000e+00> : vector<5056x128xf32>
    %dot_general3A_5 = tpu.matmul %get3A_1, %get3A_4, %dot_general3A {dimension_numbers = #tpu.dot_dimension_numbers<[1], [0], [0], [1], [0, 0, 1, 1], [], []>, transpose_lhs_hint = false} : vector<5056x16xf32>, vector<16x128xf32>, vector<5056x128xf32> -> vector<5056x128xf32>
    %get3A_6 = arith.constant 0 : index
    %get3A_7 = arith.constant 0 : index
    %get3A_8 = vector.load %arg3[%get3A_6, %get3A_7] : memref<1x128xf32, #tpu.memory_space<vmem>>, vector<1x128xf32>
    %add3A = vector.broadcast %get3A_8 : vector<1x128xf32> to vector<5056x128xf32>
    %add3A_9 = arith.addf %dot_general3A_5, %add3A : vector<5056x128xf32>
    %swap3A = arith.constant 0 : index
    %swap3A_10 = arith.constant 0 : index
    %swap3A_11 = vector.load %arg6[%swap3A, %swap3A_10] : memref<5056x128xf32, #tpu.memory_space<vmem>>, vector<5056x128xf32>
    tpu.vector_store %arg6[%swap3A, %swap3A_10], %add3A_9 {strides = array<i32>} : memref<5056x128xf32, #tpu.memory_space<vmem>>, vector<5056x128xf32>,
    %get3A_12 = arith.constant 0 : index
    %get3A_13 = arith.constant 0 : index
    %get3A_14 = vector.load %arg4[%get3A_12, %get3A_13] : memref<16x128xf32, #tpu.memory_space<vmem>>, vector<16x128xf32>
    %dot_general3A_15 = arith.constant dense<0.000000e+00> : vector<5056x128xf32>
    %dot_general3A_16 = tpu.matmul %get3A_1, %get3A_14, %dot_general3A_15 {dimension_numbers = #tpu.dot_dimension_numbers<[1], [0], [0], [1], [0, 0, 1, 1], [], []>, transpose_lhs_hint = false} : vector<5056x16xf32>, vector<16x128xf32>, vector<5056x128xf32> -> vector<5056x128xf32>
    %get3A_17 = arith.constant 0 : index
    %get3A_18 = arith.constant 0 : index
    %get3A_19 = vector.load %arg5[%get3A_17, %get3A_18] : memref<1x128xf32, #tpu.memory_space<vmem>>, vector<1x128xf32>
    %add3A_20 = vector.broadcast %get3A_19 : vector<1x128xf32> to vector<5056x128xf32>
    %add3A_21 = arith.addf %dot_general3A_16, %add3A_20 : vector<5056x128xf32>
    %swap3A_22 = arith.constant 0 : index
    %swap3A_23 = arith.constant 0 : index
    %swap3A_24 = vector.load %arg7[%swap3A_22, %swap3A_23] : memref<5056x128xf32, #tpu.memory_space<vmem>>, vector<5056x128xf32>
    tpu.vector_store %arg7[%swap3A_22, %swap3A_23], %add3A_21 {strides = array<i32>} : memref<5056x128xf32, #tpu.memory_space<vmem>>, vector<5056x128xf32>,
    return
  }
  func.func @transform_0(%arg0: i32) -> (i32, i32) {
    %c0_i32 = arith.constant 0 : i32
    %c0_i32_0 = arith.constant 0 : i32
    return %arg0, %c0_i32 : i32, i32
  }
  func.func @transform_1(%arg0: i32) -> (i32, i32) {
    %c0_i32 = arith.constant 0 : i32
    %c0_i32_0 = arith.constant 0 : i32
    %c0_i32_1 = arith.constant 0 : i32
    return %c0_i32, %c0_i32_0 : i32, i32
  }
  func.func @transform_2(%arg0: i32) -> (i32, i32) {
    %c0_i32 = arith.constant 0 : i32
    %c0_i32_0 = arith.constant 0 : i32
    %c0_i32_1 = arith.constant 0 : i32
    return %c0_i32, %c0_i32_0 : i32, i32
  }
  func.func @transform_3(%arg0: i32) -> (i32, i32) {
    %c0_i32 = arith.constant 0 : i32
    %c0_i32_0 = arith.constant 0 : i32
    %c0_i32_1 = arith.constant 0 : i32
    return %c0_i32, %c0_i32_0 : i32, i32
  }
  func.func @transform_4(%arg0: i32) -> (i32, i32) {
    %c0_i32 = arith.constant 0 : i32
    %c0_i32_0 = arith.constant 0 : i32
    %c0_i32_1 = arith.constant 0 : i32
    return %c0_i32, %c0_i32_0 : i32, i32
  }
  func.func @transform_5(%arg0: i32) -> (i32, i32) {
    %c0_i32 = arith.constant 0 : i32
    %c0_i32_0 = arith.constant 0 : i32
    return %arg0, %c0_i32 : i32, i32
  }
  func.func @transform_6(%arg0: i32) -> (i32, i32) {
    %c0_i32 = arith.constant 0 : i32
    %c0_i32_0 = arith.constant 0 : i32
    return %arg0, %c0_i32 : i32, i32
  }
}

module attributes {stable_mosaic.version = 14 : i64} {
  func.func @body(%arg0: memref<10000x128xf32, #tpu.memory_space<vmem>>, %arg1: memref<2x10008x128xf32, #tpu.memory_space<vmem>>, %arg2: memref<128x128xf32, #tpu.memory_space<vmem>>, %arg3: memref<1x128xf32, #tpu.memory_space<vmem>>, %arg4: memref<1x128xf32, #tpu.memory_space<vmem>>, %arg5: memref<1x128xf32, #tpu.memory_space<vmem>>, %arg6: memref<10000x128xf32, #tpu.memory_space<vmem>>) attributes {dimension_semantics = [], scalar_prefetch = 0 : i64, scratch_operands = 0 : i64, tpu.core_type = #tpu.core_type<tc>} {
    %get3A = arith.constant 0 : index
    %get3A_0 = arith.constant 0 : index
    %get3A_1 = arith.constant 0 : index
    %get3A_2 = vector.load %arg1[%get3A, %get3A_0, %get3A_1] : memref<2x10008x128xf32, #tpu.memory_space<vmem>>, vector<1x10000x128xf32>
    %get3A_3 = vector.shape_cast %get3A_2 : vector<1x10000x128xf32> to vector<10000x128xf32>
    %get3A_4 = arith.constant 1 : index
    %get3A_5 = arith.constant 0 : index
    %get3A_6 = arith.constant 0 : index
    %get3A_7 = vector.load %arg1[%get3A_4, %get3A_5, %get3A_6] : memref<2x10008x128xf32, #tpu.memory_space<vmem>>, vector<1x10000x128xf32>
    %get3A_8 = vector.shape_cast %get3A_7 : vector<1x10000x128xf32> to vector<10000x128xf32>
    %add3A = arith.addf %get3A_3, %get3A_8 : vector<10000x128xf32>
    %get3A_9 = arith.constant 0 : index
    %get3A_10 = arith.constant 0 : index
    %get3A_11 = vector.load %arg0[%get3A_9, %get3A_10] : memref<10000x128xf32, #tpu.memory_space<vmem>>, vector<10000x128xf32>
    %add3A_12 = arith.addf %get3A_11, %add3A : vector<10000x128xf32>
    %get3A_13 = arith.constant 0 : index
    %get3A_14 = arith.constant 0 : index
    %get3A_15 = vector.load %arg2[%get3A_13, %get3A_14] : memref<128x128xf32, #tpu.memory_space<vmem>>, vector<128x128xf32>
    %dot_general3A = arith.constant dense<0.000000e+00> : vector<10000x128xf32>
    %dot_general3A_16 = tpu.matmul %add3A_12, %get3A_15, %dot_general3A {dimension_numbers = #tpu.dot_dimension_numbers<[1], [0], [0], [1], [0, 0, 1, 1], [], []>, transpose_lhs_hint = false} : vector<10000x128xf32>, vector<128x128xf32>, vector<10000x128xf32> -> vector<10000x128xf32>
    %get3A_17 = arith.constant 0 : index
    %get3A_18 = arith.constant 0 : index
    %get3A_19 = vector.load %arg3[%get3A_17, %get3A_18] : memref<1x128xf32, #tpu.memory_space<vmem>>, vector<1x128xf32>
    %add3A_20 = vector.broadcast %get3A_19 : vector<1x128xf32> to vector<10000x128xf32>
    %add3A_21 = arith.addf %dot_general3A_16, %add3A_20 : vector<10000x128xf32>
    %reduce_sum3A = arith.constant dense<0.000000e+00> : vector<128xf32>
    %reduce_sum3A_22 = vector.multi_reduction <add>, %add3A_21, %reduce_sum3A [0] : vector<10000x128xf32> to vector<128xf32>
    %broadcast_in_dim3A = vector.shape_cast %reduce_sum3A_22 : vector<128xf32> to vector<1x128xf32>
    %div3A = arith.constant 1.000000e+04 : f32
    %div3A_23 = vector.broadcast %div3A : f32 to vector<1x128xf32>
    %div3A_24 = arith.divf %broadcast_in_dim3A, %div3A_23 : vector<1x128xf32>
    %sub3A = vector.broadcast %div3A_24 : vector<1x128xf32> to vector<10000x128xf32>
    %sub3A_25 = arith.subf %add3A_21, %sub3A : vector<10000x128xf32>
    %integer_pow3A = arith.mulf %sub3A_25, %sub3A_25 : vector<10000x128xf32>
    %reduce_sum3A_26 = arith.constant dense<0.000000e+00> : vector<128xf32>
    %reduce_sum3A_27 = vector.multi_reduction <add>, %integer_pow3A, %reduce_sum3A_26 [0] : vector<10000x128xf32> to vector<128xf32>
    %broadcast_in_dim3A_28 = vector.shape_cast %reduce_sum3A_27 : vector<128xf32> to vector<1x128xf32>
    %div3A_29 = arith.constant 1.000000e+04 : f32
    %div3A_30 = vector.broadcast %div3A_29 : f32 to vector<1x128xf32>
    %div3A_31 = arith.divf %broadcast_in_dim3A_28, %div3A_30 : vector<1x128xf32>
    %sub3A_32 = vector.broadcast %div3A_24 : vector<1x128xf32> to vector<10000x128xf32>
    %sub3A_33 = arith.subf %add3A_21, %sub3A_32 : vector<10000x128xf32>
    %add3A_34 = arith.constant 9.99999974E-6 : f32
    %add3A_35 = vector.broadcast %add3A_34 : f32 to vector<1x128xf32>
    %add3A_36 = arith.addf %div3A_31, %add3A_35 : vector<1x128xf32>
    %sqrt3A = math.sqrt %add3A_36 : vector<1x128xf32>
    %div3A_37 = vector.broadcast %sqrt3A : vector<1x128xf32> to vector<10000x128xf32>
    %div3A_38 = arith.divf %sub3A_33, %div3A_37 : vector<10000x128xf32>
    %get3A_39 = arith.constant 0 : index
    %get3A_40 = arith.constant 0 : index
    %get3A_41 = vector.load %arg4[%get3A_39, %get3A_40] : memref<1x128xf32, #tpu.memory_space<vmem>>, vector<1x128xf32>
    %mul3A = vector.broadcast %get3A_41 : vector<1x128xf32> to vector<10000x128xf32>
    %mul3A_42 = arith.mulf %div3A_38, %mul3A : vector<10000x128xf32>
    %get3A_43 = arith.constant 0 : index
    %get3A_44 = arith.constant 0 : index
    %get3A_45 = vector.load %arg5[%get3A_43, %get3A_44] : memref<1x128xf32, #tpu.memory_space<vmem>>, vector<1x128xf32>
    %add3A_46 = vector.broadcast %get3A_45 : vector<1x128xf32> to vector<10000x128xf32>
    %add3A_47 = arith.addf %mul3A_42, %add3A_46 : vector<10000x128xf32>
    %max3A = arith.constant 0.000000e+00 : f32
    %max3A_48 = vector.broadcast %max3A : f32 to vector<10000x128xf32>
    %max3A_49 = arith.maximumf %add3A_47, %max3A_48 : vector<10000x128xf32>
    %swap3A = arith.constant 0 : index
    %swap3A_50 = arith.constant 0 : index
    %swap3A_51 = vector.load %arg6[%swap3A, %swap3A_50] : memref<10000x128xf32, #tpu.memory_space<vmem>>, vector<10000x128xf32>
    tpu.vector_store %arg6[%swap3A, %swap3A_50], %max3A_49 {strides = array<i32>} : memref<10000x128xf32, #tpu.memory_space<vmem>>, vector<10000x128xf32>,
    return
  }
}

module attributes {stable_mosaic.version = 14 : i64} {
  func.func @body(%arg0: memref<10000x128xf32, #tpu.memory_space<vmem>>, %arg1: memref<2x10008x128xf32, #tpu.memory_space<vmem>>, %arg2: memref<128x128xf32, #tpu.memory_space<vmem>>, %arg3: memref<1x128xf32, #tpu.memory_space<vmem>>, %arg4: memref<1x128xf32, #tpu.memory_space<vmem>>, %arg5: memref<1x128xf32, #tpu.memory_space<vmem>>, %arg6: memref<128x128xf32, #tpu.memory_space<vmem>>, %arg7: memref<1x128xf32, #tpu.memory_space<vmem>>, %arg8: memref<1x128xf32, #tpu.memory_space<vmem>>, %arg9: memref<1x128xf32, #tpu.memory_space<vmem>>, %arg10: memref<128x128xf32, #tpu.memory_space<vmem>>, %arg11: memref<1x128xf32, #tpu.memory_space<vmem>>, %arg12: memref<1x128xf32, #tpu.memory_space<vmem>>, %arg13: memref<1x128xf32, #tpu.memory_space<vmem>>, %arg14: memref<128x32xf32, #tpu.memory_space<vmem>>, %arg15: memref<1x32xf32, #tpu.memory_space<vmem>>, %arg16: memref<8x32xf32, #tpu.memory_space<vmem>>) attributes {dimension_semantics = [], scalar_prefetch = 0 : i64, scratch_operands = 0 : i64, tpu.core_type = #tpu.core_type<tc>} {
    %get3A = arith.constant 0 : index
    %get3A_0 = arith.constant 0 : index
    %get3A_1 = vector.load %arg0[%get3A, %get3A_0] : memref<10000x128xf32, #tpu.memory_space<vmem>>, vector<10000x128xf32>
    %get3A_2 = arith.constant 0 : index
    %get3A_3 = arith.constant 0 : index
    %get3A_4 = arith.constant 0 : index
    %get3A_5 = vector.load %arg1[%get3A_2, %get3A_3, %get3A_4] : memref<2x10008x128xf32, #tpu.memory_space<vmem>>, vector<1x10000x128xf32>
    %get3A_6 = vector.shape_cast %get3A_5 : vector<1x10000x128xf32> to vector<10000x128xf32>
    %add3A = arith.addf %get3A_1, %get3A_6 : vector<10000x128xf32>
    %get3A_7 = arith.constant 1 : index
    %get3A_8 = arith.constant 0 : index
    %get3A_9 = arith.constant 0 : index
    %get3A_10 = vector.load %arg1[%get3A_7, %get3A_8, %get3A_9] : memref<2x10008x128xf32, #tpu.memory_space<vmem>>, vector<1x10000x128xf32>
    %get3A_11 = vector.shape_cast %get3A_10 : vector<1x10000x128xf32> to vector<10000x128xf32>
    %add3A_12 = arith.addf %add3A, %get3A_11 : vector<10000x128xf32>
    %get3A_13 = arith.constant 0 : index
    %get3A_14 = arith.constant 0 : index
    %get3A_15 = vector.load %arg2[%get3A_13, %get3A_14] : memref<128x128xf32, #tpu.memory_space<vmem>>, vector<128x128xf32>
    %dot_general3A = arith.constant dense<0.000000e+00> : vector<10000x128xf32>
    %dot_general3A_16 = tpu.matmul %add3A_12, %get3A_15, %dot_general3A {dimension_numbers = #tpu.dot_dimension_numbers<[1], [0], [0], [1], [0, 0, 1, 1], [], []>, transpose_lhs_hint = false} : vector<10000x128xf32>, vector<128x128xf32>, vector<10000x128xf32> -> vector<10000x128xf32>
    %get3A_17 = arith.constant 0 : index
    %get3A_18 = arith.constant 0 : index
    %get3A_19 = vector.load %arg3[%get3A_17, %get3A_18] : memref<1x128xf32, #tpu.memory_space<vmem>>, vector<1x128xf32>
    %add3A_20 = vector.broadcast %get3A_19 : vector<1x128xf32> to vector<10000x128xf32>
    %add3A_21 = arith.addf %dot_general3A_16, %add3A_20 : vector<10000x128xf32>
    %get3A_22 = arith.constant 0 : index
    %get3A_23 = arith.constant 0 : index
    %get3A_24 = vector.load %arg4[%get3A_22, %get3A_23] : memref<1x128xf32, #tpu.memory_space<vmem>>, vector<1x128xf32>
    %get3A_25 = arith.constant 0 : index
    %get3A_26 = arith.constant 0 : index
    %get3A_27 = vector.load %arg5[%get3A_25, %get3A_26] : memref<1x128xf32, #tpu.memory_space<vmem>>, vector<1x128xf32>
    %reduce_sum3A = arith.constant dense<0.000000e+00> : vector<128xf32>
    %reduce_sum3A_28 = vector.multi_reduction <add>, %add3A_21, %reduce_sum3A [0] : vector<10000x128xf32> to vector<128xf32>
    %broadcast_in_dim3A = vector.shape_cast %reduce_sum3A_28 : vector<128xf32> to vector<1x128xf32>
    %div3A = arith.constant 1.000000e+04 : f32
    %div3A_29 = vector.broadcast %div3A : f32 to vector<1x128xf32>
    %div3A_30 = arith.divf %broadcast_in_dim3A, %div3A_29 : vector<1x128xf32>
    %sub3A = vector.broadcast %div3A_30 : vector<1x128xf32> to vector<10000x128xf32>
    %sub3A_31 = arith.subf %add3A_21, %sub3A : vector<10000x128xf32>
    %integer_pow3A = arith.mulf %sub3A_31, %sub3A_31 : vector<10000x128xf32>
    %reduce_sum3A_32 = arith.constant dense<0.000000e+00> : vector<128xf32>
    %reduce_sum3A_33 = vector.multi_reduction <add>, %integer_pow3A, %reduce_sum3A_32 [0] : vector<10000x128xf32> to vector<128xf32>
    %broadcast_in_dim3A_34 = vector.shape_cast %reduce_sum3A_33 : vector<128xf32> to vector<1x128xf32>
    %div3A_35 = arith.constant 1.000000e+04 : f32
    %div3A_36 = vector.broadcast %div3A_35 : f32 to vector<1x128xf32>
    %div3A_37 = arith.divf %broadcast_in_dim3A_34, %div3A_36 : vector<1x128xf32>
    %sub3A_38 = vector.broadcast %div3A_30 : vector<1x128xf32> to vector<10000x128xf32>
    %sub3A_39 = arith.subf %add3A_21, %sub3A_38 : vector<10000x128xf32>
    %add3A_40 = arith.constant 9.99999974E-6 : f32
    %add3A_41 = vector.broadcast %add3A_40 : f32 to vector<1x128xf32>
    %add3A_42 = arith.addf %div3A_37, %add3A_41 : vector<1x128xf32>
    %sqrt3A = math.sqrt %add3A_42 : vector<1x128xf32>
    %div3A_43 = vector.broadcast %sqrt3A : vector<1x128xf32> to vector<10000x128xf32>
    %div3A_44 = arith.divf %sub3A_39, %div3A_43 : vector<10000x128xf32>
    %mul3A = vector.broadcast %get3A_24 : vector<1x128xf32> to vector<10000x128xf32>
    %mul3A_45 = arith.mulf %div3A_44, %mul3A : vector<10000x128xf32>
    %add3A_46 = vector.broadcast %get3A_27 : vector<1x128xf32> to vector<10000x128xf32>
    %add3A_47 = arith.addf %mul3A_45, %add3A_46 : vector<10000x128xf32>
    %max3A = arith.constant 0.000000e+00 : f32
    %max3A_48 = vector.broadcast %max3A : f32 to vector<10000x128xf32>
    %max3A_49 = arith.maximumf %add3A_47, %max3A_48 : vector<10000x128xf32>
    %logistic3A = arith.negf %max3A_49 : vector<10000x128xf32>
    %logistic3A_50 = math.exp %logistic3A : vector<10000x128xf32>
    %logistic3A_51 = arith.constant 1.000000e+00 : f32
    %logistic3A_52 = vector.broadcast %logistic3A_51 : f32 to vector<10000x128xf32>
    %logistic3A_53 = arith.addf %logistic3A_52, %logistic3A_50 : vector<10000x128xf32>
    %logistic3A_54 = arith.divf %logistic3A_52, %logistic3A_53 : vector<10000x128xf32>
    %reshape3A = vector.shape_cast %logistic3A_54 : vector<10000x128xf32> to vector<8x1250x128xf32>
    %reduce_sum3A_55 = arith.constant dense<0.000000e+00> : vector<8x128xf32>
    %reduce_sum3A_56 = vector.multi_reduction <add>, %reshape3A, %reduce_sum3A_55 [1] : vector<8x1250x128xf32> to vector<8x128xf32>
    %div3A_57 = arith.constant 1.250000e+03 : f32
    %div3A_58 = vector.broadcast %div3A_57 : f32 to vector<8x128xf32>
    %div3A_59 = arith.divf %reduce_sum3A_56, %div3A_58 : vector<8x128xf32>
    %get3A_60 = arith.constant 0 : index
    %get3A_61 = arith.constant 0 : index
    %get3A_62 = vector.load %arg6[%get3A_60, %get3A_61] : memref<128x128xf32, #tpu.memory_space<vmem>>, vector<128x128xf32>
    %dot_general3A_63 = arith.constant dense<0.000000e+00> : vector<8x128xf32>
    %dot_general3A_64 = tpu.matmul %div3A_59, %get3A_62, %dot_general3A_63 {dimension_numbers = #tpu.dot_dimension_numbers<[1], [0], [0], [1], [0, 0, 1, 1], [], []>, transpose_lhs_hint = false} : vector<8x128xf32>, vector<128x128xf32>, vector<8x128xf32> -> vector<8x128xf32>
    %get3A_65 = arith.constant 0 : index
    %get3A_66 = arith.constant 0 : index
    %get3A_67 = vector.load %arg7[%get3A_65, %get3A_66] : memref<1x128xf32, #tpu.memory_space<vmem>>, vector<1x128xf32>
    %add3A_68 = vector.broadcast %get3A_67 : vector<1x128xf32> to vector<8x128xf32>
    %add3A_69 = arith.addf %dot_general3A_64, %add3A_68 : vector<8x128xf32>
    %get3A_70 = arith.constant 0 : index
    %get3A_71 = arith.constant 0 : index
    %get3A_72 = vector.load %arg8[%get3A_70, %get3A_71] : memref<1x128xf32, #tpu.memory_space<vmem>>, vector<1x128xf32>
    %get3A_73 = arith.constant 0 : index
    %get3A_74 = arith.constant 0 : index
    %get3A_75 = vector.load %arg9[%get3A_73, %get3A_74] : memref<1x128xf32, #tpu.memory_space<vmem>>, vector<1x128xf32>
    %reduce_sum3A_76 = arith.constant dense<0.000000e+00> : vector<128xf32>
    %reduce_sum3A_77 = vector.multi_reduction <add>, %add3A_69, %reduce_sum3A_76 [0] : vector<8x128xf32> to vector<128xf32>
    %broadcast_in_dim3A_78 = vector.shape_cast %reduce_sum3A_77 : vector<128xf32> to vector<1x128xf32>
    %div3A_79 = arith.constant 8.000000e+00 : f32
    %div3A_80 = vector.broadcast %div3A_79 : f32 to vector<1x128xf32>
    %div3A_81 = arith.divf %broadcast_in_dim3A_78, %div3A_80 : vector<1x128xf32>
    %sub3A_82 = vector.broadcast %div3A_81 : vector<1x128xf32> to vector<8x128xf32>
    %sub3A_83 = arith.subf %add3A_69, %sub3A_82 : vector<8x128xf32>
    %integer_pow3A_84 = arith.mulf %sub3A_83, %sub3A_83 : vector<8x128xf32>
    %reduce_sum3A_85 = arith.constant dense<0.000000e+00> : vector<128xf32>
    %reduce_sum3A_86 = vector.multi_reduction <add>, %integer_pow3A_84, %reduce_sum3A_85 [0] : vector<8x128xf32> to vector<128xf32>
    %broadcast_in_dim3A_87 = vector.shape_cast %reduce_sum3A_86 : vector<128xf32> to vector<1x128xf32>
    %div3A_88 = arith.constant 8.000000e+00 : f32
    %div3A_89 = vector.broadcast %div3A_88 : f32 to vector<1x128xf32>
    %div3A_90 = arith.divf %broadcast_in_dim3A_87, %div3A_89 : vector<1x128xf32>
    %sub3A_91 = vector.broadcast %div3A_81 : vector<1x128xf32> to vector<8x128xf32>
    %sub3A_92 = arith.subf %add3A_69, %sub3A_91 : vector<8x128xf32>
    %add3A_93 = arith.constant 9.99999974E-6 : f32
    %add3A_94 = vector.broadcast %add3A_93 : f32 to vector<1x128xf32>
    %add3A_95 = arith.addf %div3A_90, %add3A_94 : vector<1x128xf32>
    %sqrt3A_96 = math.sqrt %add3A_95 : vector<1x128xf32>
    %div3A_97 = vector.broadcast %sqrt3A_96 : vector<1x128xf32> to vector<8x128xf32>
    %div3A_98 = arith.divf %sub3A_92, %div3A_97 : vector<8x128xf32>
    %mul3A_99 = vector.broadcast %get3A_72 : vector<1x128xf32> to vector<8x128xf32>
    %mul3A_100 = arith.mulf %div3A_98, %mul3A_99 : vector<8x128xf32>
    %add3A_101 = vector.broadcast %get3A_75 : vector<1x128xf32> to vector<8x128xf32>
    %add3A_102 = arith.addf %mul3A_100, %add3A_101 : vector<8x128xf32>
    %max3A_103 = arith.constant 0.000000e+00 : f32
    %max3A_104 = vector.broadcast %max3A_103 : f32 to vector<8x128xf32>
    %max3A_105 = arith.maximumf %add3A_102, %max3A_104 : vector<8x128xf32>
    %get3A_106 = arith.constant 0 : index
    %get3A_107 = arith.constant 0 : index
    %get3A_108 = vector.load %arg10[%get3A_106, %get3A_107] : memref<128x128xf32, #tpu.memory_space<vmem>>, vector<128x128xf32>
    %dot_general3A_109 = arith.constant dense<0.000000e+00> : vector<8x128xf32>
    %dot_general3A_110 = tpu.matmul %max3A_105, %get3A_108, %dot_general3A_109 {dimension_numbers = #tpu.dot_dimension_numbers<[1], [0], [0], [1], [0, 0, 1, 1], [], []>, transpose_lhs_hint = false} : vector<8x128xf32>, vector<128x128xf32>, vector<8x128xf32> -> vector<8x128xf32>
    %get3A_111 = arith.constant 0 : index
    %get3A_112 = arith.constant 0 : index
    %get3A_113 = vector.load %arg11[%get3A_111, %get3A_112] : memref<1x128xf32, #tpu.memory_space<vmem>>, vector<1x128xf32>
    %add3A_114 = vector.broadcast %get3A_113 : vector<1x128xf32> to vector<8x128xf32>
    %add3A_115 = arith.addf %dot_general3A_110, %add3A_114 : vector<8x128xf32>
    %get3A_116 = arith.constant 0 : index
    %get3A_117 = arith.constant 0 : index
    %get3A_118 = vector.load %arg12[%get3A_116, %get3A_117] : memref<1x128xf32, #tpu.memory_space<vmem>>, vector<1x128xf32>
    %get3A_119 = arith.constant 0 : index
    %get3A_120 = arith.constant 0 : index
    %get3A_121 = vector.load %arg13[%get3A_119, %get3A_120] : memref<1x128xf32, #tpu.memory_space<vmem>>, vector<1x128xf32>
    %reduce_sum3A_122 = arith.constant dense<0.000000e+00> : vector<128xf32>
    %reduce_sum3A_123 = vector.multi_reduction <add>, %add3A_115, %reduce_sum3A_122 [0] : vector<8x128xf32> to vector<128xf32>
    %broadcast_in_dim3A_124 = vector.shape_cast %reduce_sum3A_123 : vector<128xf32> to vector<1x128xf32>
    %div3A_125 = arith.constant 8.000000e+00 : f32
    %div3A_126 = vector.broadcast %div3A_125 : f32 to vector<1x128xf32>
    %div3A_127 = arith.divf %broadcast_in_dim3A_124, %div3A_126 : vector<1x128xf32>
    %sub3A_128 = vector.broadcast %div3A_127 : vector<1x128xf32> to vector<8x128xf32>
    %sub3A_129 = arith.subf %add3A_115, %sub3A_128 : vector<8x128xf32>
    %integer_pow3A_130 = arith.mulf %sub3A_129, %sub3A_129 : vector<8x128xf32>
    %reduce_sum3A_131 = arith.constant dense<0.000000e+00> : vector<128xf32>
    %reduce_sum3A_132 = vector.multi_reduction <add>, %integer_pow3A_130, %reduce_sum3A_131 [0] : vector<8x128xf32> to vector<128xf32>
    %broadcast_in_dim3A_133 = vector.shape_cast %reduce_sum3A_132 : vector<128xf32> to vector<1x128xf32>
    %div3A_134 = arith.constant 8.000000e+00 : f32
    %div3A_135 = vector.broadcast %div3A_134 : f32 to vector<1x128xf32>
    %div3A_136 = arith.divf %broadcast_in_dim3A_133, %div3A_135 : vector<1x128xf32>
    %sub3A_137 = vector.broadcast %div3A_127 : vector<1x128xf32> to vector<8x128xf32>
    %sub3A_138 = arith.subf %add3A_115, %sub3A_137 : vector<8x128xf32>
    %add3A_139 = arith.constant 9.99999974E-6 : f32
    %add3A_140 = vector.broadcast %add3A_139 : f32 to vector<1x128xf32>
    %add3A_141 = arith.addf %div3A_136, %add3A_140 : vector<1x128xf32>
    %sqrt3A_142 = math.sqrt %add3A_141 : vector<1x128xf32>
    %div3A_143 = vector.broadcast %sqrt3A_142 : vector<1x128xf32> to vector<8x128xf32>
    %div3A_144 = arith.divf %sub3A_138, %div3A_143 : vector<8x128xf32>
    %mul3A_145 = vector.broadcast %get3A_118 : vector<1x128xf32> to vector<8x128xf32>
    %mul3A_146 = arith.mulf %div3A_144, %mul3A_145 : vector<8x128xf32>
    %add3A_147 = vector.broadcast %get3A_121 : vector<1x128xf32> to vector<8x128xf32>
    %add3A_148 = arith.addf %mul3A_146, %add3A_147 : vector<8x128xf32>
    %max3A_149 = arith.constant 0.000000e+00 : f32
    %max3A_150 = vector.broadcast %max3A_149 : f32 to vector<8x128xf32>
    %max3A_151 = arith.maximumf %add3A_148, %max3A_150 : vector<8x128xf32>
    %get3A_152 = arith.constant 0 : index
    %get3A_153 = arith.constant 0 : index
    %get3A_154 = vector.load %arg14[%get3A_152, %get3A_153] : memref<128x32xf32, #tpu.memory_space<vmem>>, vector<128x32xf32>
    %dot_general3A_155 = arith.constant dense<0.000000e+00> : vector<8x32xf32>
    %dot_general3A_156 = tpu.matmul %max3A_151, %get3A_154, %dot_general3A_155 {dimension_numbers = #tpu.dot_dimension_numbers<[1], [0], [0], [1], [0, 0, 1, 1], [], []>, transpose_lhs_hint = false} : vector<8x128xf32>, vector<128x32xf32>, vector<8x32xf32> -> vector<8x32xf32>
    %get3A_157 = arith.constant 0 : index
    %get3A_158 = arith.constant 0 : index
    %get3A_159 = vector.load %arg15[%get3A_157, %get3A_158] : memref<1x32xf32, #tpu.memory_space<vmem>>, vector<1x32xf32>
    %add3A_160 = vector.broadcast %get3A_159 : vector<1x32xf32> to vector<8x32xf32>
    %add3A_161 = arith.addf %dot_general3A_156, %add3A_160 : vector<8x32xf32>
    %logistic3A_162 = arith.negf %add3A_161 : vector<8x32xf32>
    %logistic3A_163 = math.exp %logistic3A_162 : vector<8x32xf32>
    %logistic3A_164 = arith.constant 1.000000e+00 : f32
    %logistic3A_165 = vector.broadcast %logistic3A_164 : f32 to vector<8x32xf32>
    %logistic3A_166 = arith.addf %logistic3A_165, %logistic3A_163 : vector<8x32xf32>
    %logistic3A_167 = arith.divf %logistic3A_165, %logistic3A_166 : vector<8x32xf32>
    %swap3A = arith.constant 0 : index
    %swap3A_168 = arith.constant 0 : index
    %swap3A_169 = vector.load %arg16[%swap3A, %swap3A_168] : memref<8x32xf32, #tpu.memory_space<vmem>>, vector<8x32xf32>
    tpu.vector_store %arg16[%swap3A, %swap3A_168], %logistic3A_167 {strides = array<i32>} : memref<8x32xf32, #tpu.memory_space<vmem>>, vector<8x32xf32>,
    return
  }
}

</mosaic_0001>

<sc_bundles>
// kernel: kernel.10.cloned.1.call-start
scs
__scs_entry_jumppad:
0x0: {  	(pc) =	sbr.rel $0x88, $3  }
0x1: {  	(tag) =	ssettag $0x0;
	lr =	simm.s32 $0x1  }
0x2: {  	[smem:$0x3F88] =	sst lr;
	_ =	strace $0xD0000000  }
0x3: {  	_ = 	snop  }
0x4: {  	_ = 	snop  }
0x5: {  	_ = 	snop  }
0x6: {  	_ = 	snop  }
0x7: {  	_ = 	snop  }
__scs_overlays_trampoline_lowered:
0x8: {  	[smem:$0x3F97] =	sst s0  }
0x9: {  	[smem:$0x3F98] =	sst s1  }
0xa: {  	[smem:$0x3F99] =	sst s2  }
0xb: {  	[smem:$0x3F9A] =	sst s3  }
0xc: {  	[smem:$0x3F9B] =	sst s4  }
0xd: {  	[smem:$0x3F9C] =	sst s5  }
0xe: {  	[smem:$0x3F9D] =	sst s6  }
0xf: {  	[smem:$0x3F9E] =	sst s7  }
0x10: {  	[smem:$0x3F9F] =	sst s8  }
0x11: {  	[smem:$0x3FA0] =	sst s9;
	s0 =	simm.s32 @!p0 $0x0  }
0x12: {  	s1 =	sld [smem:$0x3F86];
	s0 =	simm.s32 @p0 $0x1  }
0x13: {  	[smem:$0x3FA1] =	sst s0;
	s0 =	simm.s32 @!p1 $0x0  }
0x14: {  	s2 =	sld [smem:$0x3F85];
	s0 =	simm.s32 @p1 $0x1  }
0x15: {  	[smem:$0x3FA2] =	sst s0;
	s0 =	simm.s32 @!p2 $0x0  }
0x16: {  	s3 =	sld [smem:$0x3FDB];
	s0 =	simm.s32 @p2 $0x1  }
0x17: {  	s4 =	simm.s32 $0x1BF5;
	[smem:$0x3FA4] =	sst s0  }
0x18: {  	s0 =	sld [smem:$0x3F87];
	_ =	swait.ge [sflag:s4], $0x0  }
0x19: {  	s7 =	sld [smem:$0x3F88]  }
0x1a: {  	s8 =	sadd.s32 $0xFFFFE003, lr  }
0x1b: {  	s9 =	sadd.s32 $0xFFFFFEF7, lr;
	s5 =	simm.s32 $0xFFFFFFFF;
	p2 =	slt.u32 s8, $0xFFFFF086  }
0x1c: {  	p1 =	slt.u32 s9, $0xF7A;
	s5 =	simm.s32 @!p2 $0x0  }
0x1d: {  	s5 =	simm.s32 @p1 $0x1;
	p0 =	seq.s32 s7, s2  }
0x1e: {  	s7 =	smul.u32 @!p0 $0xF7A, s2;
	p2 =	seq.s32 @!p0 s5, $0x0  }
0x1f: {  	s9 =	smul.u32 $0xF7A, s1;
	s8 =	simm.s32 @!p0 $0x1BF5;
	p2 =	por !p2, p0  }
0x20: {  	[sflag:s8] =	ssyncset.s32 @!p0 $0xFFFFF086;
	s6 =	sadd.s32 @!p0 s3, s7;
	s7 =	simm.s32 @!p0 $0x108  }
0x21: {  	s3 =	sadd.s32 s3, s9;
	s6 =	sadd.s32 @!p0 $0x88, s6;
	s7 =	simm.s32 @p2 $0x1082  }
0x22: {  	[simem:s7], [sflag:s8] =	dma.local @!p0 [hbm:s6], $0xF7A  }
0x23: {  	s9 =	sor.u32 $0xD0000000, s2;
	s6 =	simm.s32 $0x108;
	_ =	swait.ge @!p0 [sflag:s8], $0x0  }
0x24: {  	s3 =	sadd.s32 $0x88, s3;
	s6 =	simm.s32 @!p1 $0x1082;
	[sflag:s4] =	ssyncset.s32 $0xFFFFF086  }
0x25: {  	[simem:s6], [sflag:s4] =	dma.local [hbm:s3], $0xF7A  }
0x26: {  	[smem:$0x3F88] =	sst s1;
	(tag) =	ssettag s2;
	_ =	strace s9  }
0x27: {  	s1 =	sld [smem:$0x3F98]  }
0x28: {  	s2 =	sld [smem:$0x3F99]  }
0x29: {  	s4 =	sld [smem:$0x3F9B]  }
0x2a: {  	p0 =	seq.s32 s5, $0x0;
	s5 =	sld [smem:$0x3F9C]  }
0x2b: {  	s6 =	sld [smem:$0x3F9D]  }
0x2c: {  	s7 =	sld [smem:$0x3F9E]  }
0x2d: {  	s3 =	simm.s32 $0x108;
	s8 =	sld [smem:$0x3F9F]  }
0x2e: {  	s3 =	simm.s32 @!p0 $0x1082;
	s9 =	sld [smem:$0x3FA0]  }
0x2f: {  	lr =	sadd.s32 s0, s3;
	s0 =	sld [smem:$0x3F97]  }
0x30: {  	s3 =	sld [smem:$0x3F9A]  }
0x31: {  	[smem:$0x3FA3] =	sst s10  }
0x32: {  	s10 =	sld [smem:$0x3FA1];
	_ =	sdelay $0x3  }
0x33: {  	p0 =	seq.s32 s10, $0x1;
	s10 =	sld [smem:$0x3FA3];
	_ =	sdelay $0x3  }
0x34: {  	[smem:$0x3FA3] =	sst s10  }
0x35: {  	s10 =	sld [smem:$0x3FA2];
	_ =	sdelay $0x3  }
0x36: {  	p1 =	seq.s32 s10, $0x1;
	s10 =	sld [smem:$0x3FA3];
	_ =	sdelay $0x3  }
0x37: {  	[smem:$0x3FA3] =	sst s10  }
0x38: {  	s10 =	sld [smem:$0x3FA4]  }
0x39: {  	_ = 	snop;
	(pc) =	sbr.ind lr, $3  }
0x3a: {  	_ = 	snop  }
0x3b: {  	_ = 	snop  }
0x3c: {  	p2 =	seq.s32 s10, $0x1;
	s10 =	sld [smem:$0x3FA3]  }
0x3d: {  	_ =	shalt  }
0x3e: {  	_ =	shalt  }
0x3f: {  	_ =	shalt  }
0x40: {  	_ =	shalt  }
0x41: {  	_ =	shalt  }
0x42: {  	_ =	shalt  }
0x43: {  	_ =	shalt  }
0x44: {  	_ =	shalt  }
0x45: {  	_ =	shalt  }
0x46: {  	_ =	shalt  }
0x47: {  	_ =	shalt  }
0x48: {  	_ =	shalt  }
0x49: {  	_ =	shalt  }
0x4a: {  	_ =	shalt  }
0x4b: {  	_ =	shalt  }
0x4c: {  	_ =	shalt  }
0x4d: {  	_ =	shalt  }
0x4e: {  	_ =	shalt  }
0x4f: {  	_ =	shalt  }
0x50: {  	_ =	shalt  }
0x51: {  	_ =	shalt  }
0x52: {  	_ =	shalt  }
0x53: {  	_ =	shalt  }
0x54: {  	_ =	shalt  }
0x55: {  	_ =	shalt  }
0x56: {  	_ =	shalt  }
0x57: {  	_ =	shalt  }
0x58: {  	_ =	shalt  }
0x59: {  	_ =	shalt  }
0x5a: {  	_ =	shalt  }
0x5b: {  	_ =	shalt  }
0x5c: {  	_ =	shalt  }
0x5d: {  	_ =	shalt  }
0x5e: {  	_ =	shalt  }
0x5f: {  	_ =	shalt  }
0x60: {  	_ =	shalt  }
0x61: {  	_ =	shalt  }
0x62: {  	_ =	shalt  }
0x63: {  	_ =	shalt  }
0x64: {  	_ =	shalt  }
0x65: {  	_ =	shalt  }
0x66: {  	_ =	shalt  }
0x67: {  	_ =	shalt  }
0x68: {  	_ =	shalt  }
0x69: {  	_ =	shalt  }
0x6a: {  	_ =	shalt  }
0x6b: {  	_ =	shalt  }
0x6c: {  	_ =	shalt  }
0x6d: {  	_ =	shalt  }
0x6e: {  	_ =	shalt  }
0x6f: {  	_ =	shalt  }
0x70: {  	_ =	shalt  }
0x71: {  	_ =	shalt  }
0x72: {  	_ =	shalt  }
0x73: {  	_ =	shalt  }
0x74: {  	_ =	shalt  }
0x75: {  	_ =	shalt  }
0x76: {  	_ =	shalt  }
0x77: {  	_ =	shalt  }
0x78: {  	_ =	shalt  }
0x79: {  	_ =	shalt  }
0x7a: {  	_ =	shalt  }
0x7b: {  	_ =	shalt  }
0x7c: {  	_ =	shalt  }
0x7d: {  	_ =	shalt  }
0x7e: {  	_ =	shalt  }
0x7f: {  	_ =	shalt  }
0x80: {  	_ =	shalt  }
0x81: {  	_ =	shalt  }
0x82: {  	_ =	shalt  }
0x83: {  	_ =	shalt  }
0x84: {  	_ =	shalt  }
0x85: {  	_ =	shalt  }
0x86: {  	_ =	shalt  }
0x87: {  	_ =	shalt  }
.Lfunc_end0:
.L_simem_size_0:
called_computation.1_lowered:
.L_overlay_start_0:
0x88: {  	s2 =	sld [smem:$0x3FD9]  }
0x89: {  	s3 =	sld [smem:$0x3FFE];
	_ =	sdelay $0x1  }
0x8a: {  	s1 =	srdreg.scid  }
0x8b: {  	s0 =	sand.u32 $0x1, s1  }
0x8c: {  	s16 =	sshll.u32 s0, $0xA;
	s2 =	sadd.s32 s3, s2  }
0x8d: {  	s2 =	sadd.s32 s2, s16  }
0x8e: {  	[smem:$0x3FAF] =	sst s2  }
0x8f: {  	_ = 	snop  }
0x90: {  	(tm) =	ssettm $0x1  }
0x91: {  	s17 =	sld [smem:$0x3FFB];
	_ =	sdelay $0x3  }
0x92: {  	_ =	strace s17  }
0x93: {  	s2 =	sld [smem:$0x3FFC];
	_ =	sdelay $0x3  }
0x94: {  	_ =	strace s2  }
0x95: {  	s2 =	sld [smem:$0x3FFD];
	_ =	sdelay $0x3  }
0x96: {  	_ =	strace s2  }
0x97: {  	_ =	strace $0x8FFFFFFF  }
0x98: {  	s18 =	sld [smem:$0x3FDB];
	_ =	sdelay $0x1  }
0x99: {  	s19 =	simm.s32 $_scs_section_size  }
0x9a: {  	s4 =	simm.s32 $_size__tile_overlayer_lowered;
	s5 =	simm.s32 $_tile_overlayer_lowered  }
0x9b: {  	s22 =	simm.s32 $0x1BFF;
	s21 =	sshll.u32 s5, $0x1;
	s2 =	sadd.s32 s19, s18  }
0x9c: {  	s6 =	simm.s32 $0x0;
	s20 =	sshll.u32 s4, $0x1;
	s4 =	sadd.s32 s21, s2  }
0x9d: {  	[timem:s6], [sflag:s22] =	dma.local [hbm:s4], s20  }
0x9e: {  	_ =	swait.ge [sflag:s22], s20  }
0x9f: {  	s3 =	ssub.s32 $0x0, s20;
	[sflag:s22] =	ssyncset.done $0x0  }
0xa0: {  	[sflag:s22] =	ssyncadd.s32 s3;
	_ =	sdelay $0x1  }
0xa1: {  	s23 =	simm.s32 $0x1B8B  }
0xa2: {  	_ =	swait.ge [sflag:s23], $0x1  }
0xa3: {  	[sflag:s23] =	ssyncset.done $0x0  }
0xa4: {  	s25 =	simm.s32 $0x1B8E;
	s24 =	sld [smem:$0x3FFE];
	[sflag:s23] =	ssyncadd.s32 $0xFFFFFFFF  }
0xa5: {  	s26 =	simm.s32 $execute0_lowered;
	[smem:$0x3FD2] =	sst s25  }
0xa6: {  	s4 =	sshll.u32 s26, $0x1;
	_ =	strace $0x80000049;
	[dreg:$0x1] =	wrdreg $0xFFFFFFFF  }
0xa7: {  	s28 =	simm.s32 $_size_execute0_lowered;
	s2 =	sadd.s32 s2, s4;
	[dreg:$0x0] =	wrdreg $0x0  }
0xa8: {  	s4 =	sshll.u32 s28, $0x1;
	[dreg:$0x2] =	wrdreg s2  }
0xa9: {  	[dreg:$0x3] =	wrdreg s4  }
0xaa: {  	[dreg:$0x4] =	wrdreg $0xC0  }
0xab: {  	_ =	task [dreg:s6], $0x5FFFF  }
0xac: {  	[dreg:$0x1] =	wrdreg $0xFFFFFFFF  }
0xad: {  	[dreg:$0x0] =	wrdreg $0x60  }
0xae: {  	[dreg:$0x2] =	wrdreg s24  }
0xaf: {  	[dreg:$0x3] =	wrdreg $0x90000  }
0xb0: {  	[dreg:$0x4] =	wrdreg $0x9  }
0xb1: {  	_ =	task.clear_ibuf [dreg:s6], $0x5FFFF;
	_ =	strace $0x90000049  }
0xb2: {  	s29 =	simm.s32 $0x9;
	_ =	strace $0x8000004B  }
0xb3: {  	_ =	swait.ge [sflag:s29], $0x1  }
0xb4: {  	[sflag:s29] =	ssyncadd.s32 $0xFFFFFFFF  }
0xb5: {  	_ =	strace $0x9000004B  }
0xb6: {  	_ =	sfence  }
0xb7: {  	s30 =	sld [smem:$0x0];
	_ =	sdelay $0x2  }
0xb8: {  	s31 =	sshll.u32 s1, $0xD;
	s1 =	sshrl.u32 s1, $0x2  }
0xb9: {  	s3 =	sand.u32 $0x4000, s31;
	s1 =	sadd.s32 s1, s30  }
0xba: {  	s0 =	sor.u32 s3, s0;
	s1 =	sshll.u32 s1, $0x11  }
0xbb: {  	s0 =	sor.u32 s1, s0  }
0xbc: {  	s0 =	sadd.s32 $0x8F2B, s0  }
0xbd: {  	[sflag:s0] =	ssyncadd.remote.s32 $0x1  }
0xbe: {  	_ =	sfence.sel $0xFFFF  }
0xbf: {  	[dreg:$0x0] =	wrdreg $0xFFFFFFFF;
	(pc) =	sbr.abs _section_cstart, $3  }
0xc0: {  	[dreg:$0x1] =	wrdreg $0xFFFFFFFF  }
0xc1: {  	_ =	task.clear_ibuf [dreg:s6], $0x2FFFF;
	_ =	strace $0x9FFFFFFF  }
0xc2: {  	(tm) =	ssettm $0x7FFFFFFF  }
0xc3: {  	_ =	shalt  }
tec
execute0_lowered:
.L_overlay_start_1:
0x0: {  	(tag) =	ssettag $0x1  }
0x1: {  	s7 =	rddreg [dreg:$0x0];
	s0 =	srdreg.scid  }
0x2: {  	s2 =	rddreg [dreg:$0x1];
	s1 =	stileid.u32;
	s3 =	simm.s32 $0x0  }
0x3: {  	s23 =	simm.s32 $0x2800;
	s24 =	simm.s32 $0x5000;
	s25 =	simm.s32 $0x80  }
0x4: {  	s5 =	smul.u32 $0x4F000, s1;
	[smem:$0x7FF] =	sst s3;
	s19 =	sadd.s32 $0x2AE00, s7  }
0x5: {  	s12 =	sand.u32 $0x1, s0;
	s10 =	sadd.s32 $0x128400, s2;
	s11 =	sadd.s32 $0x12C400, s2  }
0x6: {  	s13 =	sadd.s32 $0x130400, s2;
	s21 =	smul.u32 $0x13C00, s1;
	p0 =	seq.s32 s1, $0xF  }
0x7: {  	s4 =	sshll.u32 s12, $0x4;
	_ =	strace $0x8000004A;
	s14 =	ssub.s32 $0x2, s12  }
0x8: {  	s20 =	smul.u32 $0x138C00, s12;
	s18 =	sor.u32 s1, s4;
	s4 =	sadd.s32 $0x3C00, s7  }
0x9: {  	s8 =	sshrl.u32 s5, $0x2;
	s5 =	sadd.s32 $0xED9C00, s7;
	s15 =	sshrl.u32 s14, $0x1  }
0xa: {  	s6 =	smul.u32 $0x500, s18;
	s22 =	ssub.s32 s14, s15;
	s14 =	sadd.s32 $0x134400, s2  }
0xb: {  	s15 =	sadd.s32 $0x138400, s2;
	s21 =	sadd.s32 s21, s20;
	s20 =	sshrl.u32 s20, $0x3  }
0xc: {  	s18 =	smul.u32 $0x2780, s18;
	s21 =	sshrl.u32 s21, $0x3;
	s20 =	sadd.s32 s19, s20  }
0xd: {  	s17 =	sadd.s32 s6, s7;
	s6 =	sadd.s32 s8, s2;
	s19 =	sadd.s32 s19, s21  }
0xe: {  	s20 =	sadd.s32 $0x25080, s20;
	s21 =	smax.u32 s22, $0x1;
	s7 =	sadd.s32 $0x4000, s6  }
0xf: {  	s8 =	sadd.s32 $0x8000, s6;
	s9 =	sadd.s32 $0xC000, s6;
	s12 =	sadd.s32 $0x10000, s6  }
0x10: {  	v0 =	vimm.f32 $0.0e+00;
	s22 =	simm.s32 $0x1;
	s16 =	sadd.s32 $0x4E5C00, s17;
	s17 =	sadd.s32 $0x4EFC00, s17  }
.LBB2_1:
0x11: {  	s26 =	simm.s32 $0x0;
	s28 =	simm.s32 $0x200  }
.LBB2_2:
0x12: {  	p1 =	sne.s32 s28, $0xFE00;
	[tilespmem:s26+$0x5070] =	vst v0  }
0x13: {  	[tilespmem:s26+$0x5000] =	vst v0  }
0x14: {  	[tilespmem:s26+$0x5010] =	vst v0  }
.Ltmp0:
0x15: {  	[tilespmem:s26+$0x5020] =	vst v0;
	(pc) =	sbr.rel @p1 .LBB2_2-.Ltmp0, $4  }
0x16: {  	[tilespmem:s26+$0x5030] =	vst v0  }
0x17: {  	[tilespmem:s26+$0x5040] =	vst v0  }
0x18: {  	[tilespmem:s26+$0x5050] =	vst v0  }
0x19: {  	[tilespmem:s26+$0x5060] =	vst v0;
	s26 =	sshra.s32 s28, $0x2;
	s28 =	sadd.s32 $0x200, s28  }
0x1a: {  	[tilespmem:s26+$0x5070] =	vst v0  }
0x1b: {  	[tilespmem:s26+$0x5000] =	vst v0  }
0x1c: {  	[tilespmem:s26+$0x5010] =	vst v0  }
0x1d: {  	[tilespmem:s26+$0x5020] =	vst v0  }
0x1e: {  	[tilespmem:s26+$0x5030] =	vst v0  }
0x1f: {  	[tilespmem:s26+$0x5040] =	vst v0  }
0x20: {  	[tilespmem:s26+$0x5050] =	vst v0  }
0x21: {  	[tilespmem:s26+$0x5060] =	vst v0;
	s26 =	simm.s32 @p0 $0x5000;
	s28 =	simm.s32 @p0 $0x1  }
0x22: {  	[spmem:s10] =	stream.linear.scatter @p0 [tilespmem:s26], [sflag:$0x1], $0x4000, $0x38;
	[tilespmem:$0x1C8C0] =	vst v63  }
0x23: {  	_ =	swait.ge @p0 [sflag:s28], $0x4000  }
0x24: {  	[sflag:s28] =	ssyncset.done @p0 $0x0  }
0x25: {  	[sflag:s28] =	ssyncadd.s32 @p0 $0xFFFFC000  }
0x26: {  	[spmem:s11] =	stream.linear.scatter @p0 [tilespmem:s26], [sflag:$0x1], $0x4000, $0x38;
	[tilespmem:$0x1C8C0] =	vst v63  }
0x27: {  	_ =	swait.ge @p0 [sflag:s28], $0x4000  }
0x28: {  	[sflag:s28] =	ssyncset.done @p0 $0x0  }
0x29: {  	[sflag:s28] =	ssyncadd.s32 @p0 $0xFFFFC000  }
0x2a: {  	[spmem:s13] =	stream.linear.scatter @p0 [tilespmem:s26], [sflag:$0x1], $0x4000, $0x38;
	[tilespmem:$0x1C8C0] =	vst v63  }
0x2b: {  	_ =	swait.ge @p0 [sflag:s28], $0x4000  }
0x2c: {  	[sflag:s28] =	ssyncset.done @p0 $0x0  }
0x2d: {  	[sflag:s28] =	ssyncadd.s32 @p0 $0xFFFFC000  }
0x2e: {  	[spmem:s14] =	stream.linear.scatter @p0 [tilespmem:s26], [sflag:$0x1], $0x4000, $0x38;
	[tilespmem:$0x1C8C0] =	vst v63  }
0x2f: {  	_ =	swait.ge @p0 [sflag:s28], $0x4000  }
0x30: {  	[sflag:s28] =	ssyncset.done @p0 $0x0  }
0x31: {  	[sflag:s28] =	ssyncadd.s32 @p0 $0xFFFFC000  }
0x32: {  	[spmem:s15] =	stream.linear.scatter @p0 [tilespmem:s26], [sflag:$0x1], $0x800, $0x38;
	[tilespmem:$0x1C8C0] =	vst v63  }
0x33: {  	_ =	swait.ge @p0 [sflag:s28], $0x800  }
0x34: {  	[sflag:s28] =	ssyncset.done @p0 $0x0  }
0x35: {  	s26 =	simm.s32 @!p0 $0x5000;
	[sflag:s28] =	ssyncadd.s32 @p0 $0xFFFFF800;
	s28 =	simm.s32 @!p0 $0x1  }
0x36: {  	[spmem:s6] =	stream.linear.scatter @!p0 [tilespmem:s26], [sflag:$0x1], $0x4000, $0x38;
	[tilespmem:$0x1C8C0] =	vst v63  }
0x37: {  	_ =	swait.ge @!p0 [sflag:s28], $0x4000  }
0x38: {  	[sflag:s28] =	ssyncset.done @!p0 $0x0  }
0x39: {  	[sflag:s28] =	ssyncadd.s32 @!p0 $0xFFFFC000  }
0x3a: {  	[spmem:s7] =	stream.linear.scatter @!p0 [tilespmem:s26], [sflag:$0x1], $0x4000, $0x38;
	[tilespmem:$0x1C8C0] =	vst v63  }
0x3b: {  	_ =	swait.ge @!p0 [sflag:s28], $0x4000  }
0x3c: {  	[sflag:s28] =	ssyncset.done @!p0 $0x0  }
0x3d: {  	[sflag:s28] =	ssyncadd.s32 @!p0 $0xFFFFC000  }
0x3e: {  	[spmem:s8] =	stream.linear.scatter @!p0 [tilespmem:s26], [sflag:$0x1], $0x4000, $0x38;
	[tilespmem:$0x1C8C0] =	vst v63  }
0x3f: {  	_ =	swait.ge @!p0 [sflag:s28], $0x4000  }
0x40: {  	[sflag:s28] =	ssyncset.done @!p0 $0x0  }
0x41: {  	[sflag:s28] =	ssyncadd.s32 @!p0 $0xFFFFC000  }
0x42: {  	[spmem:s9] =	stream.linear.scatter @!p0 [tilespmem:s26], [sflag:$0x1], $0x4000, $0x38;
	[tilespmem:$0x1C8C0] =	vst v63  }
0x43: {  	_ =	swait.ge @!p0 [sflag:s28], $0x4000  }
0x44: {  	[sflag:s28] =	ssyncset.done @!p0 $0x0  }
0x45: {  	[sflag:s28] =	ssyncadd.s32 @!p0 $0xFFFFC000  }
0x46: {  	[spmem:s12] =	stream.linear.scatter @!p0 [tilespmem:s26], [sflag:$0x1], $0x3C00, $0x38;
	[tilespmem:$0x1C8C0] =	vst v63  }
0x47: {  	_ =	swait.ge @!p0 [sflag:s28], $0x3C00  }
0x48: {  	[sflag:s28] =	ssyncset.done @!p0 $0x0  }
0x49: {  	s26 =	simm.s32 $0x0;
	[sflag:s28] =	ssyncadd.s32 @!p0 $0xFFFFC400  }
0x4a: {  	[tilespmem:s26], [sflag:$0x1] =	stream.linear.gather [hbm4b:s16+s26], $0x2780, $0x38;
	[tilespmem:$0x1C8C0] =	vst v63  }
0x4b: {  	_ =	swait.ge [sflag:s22], $0x2780  }
0x4c: {  	[sflag:s22] =	ssyncset.done $0x0  }
0x4d: {  	[sflag:s22] =	ssyncadd.s32 $0xFFFFD880  }
0x4e: {  	[tilespmem:s23], [sflag:$0x1] =	stream.linear.gather [hbm4b:s17+s26], $0x2780, $0x38;
	[tilespmem:$0x1C8C0] =	vst v63  }
0x4f: {  	_ =	swait.ge [sflag:s22], $0x2780  }
0x50: {  	[sflag:s22] =	ssyncset.done $0x0  }
0x51: {  	[sflag:s22] =	ssyncadd.s32 $0xFFFFD880  }
0x52: {  	s28 =	simm.s32 $0x0;
	[bflag:$0x0] =	sbarrier.arrive $0xFFFF  }
.LBB2_4:
0x53: {  	s29 =	sshll.u32 s28, $0x7  }
0x54: {  	s30 =	sadd.s32 s18, s29  }
0x55: {  	s30 =	sshll.u32 s30, $0x4  }
0x56: {  	s30 =	sadd.s32 s5, s30  }
0x57: {  	[tilespmem:s24], [sflag:$0x1] =	stream.linear.gather [hbm4b:s30+s26], $0x4000, $0x38;
	[tilespmem:$0x1C8C0] =	vst v63  }
0x58: {  	_ =	swait.ge [sflag:s22], $0x4000  }
0x59: {  	[sflag:s22] =	ssyncset.done $0x0  }
0x5a: {  	[sflag:s22] =	ssyncadd.s32 $0xFFFFC000  }
0x5b: {  	[tilespmem:s24], [sflag:$0x1] =	stream.indirect.gather.add.f32 [hbm:s4], $0x80, s29, s25, $0xb8;
	[tilespmem:$0x1C8C0] =	vst v63  }
0x5c: {  	_ =	swait.ge [sflag:s22], $0x4000  }
0x5d: {  	[sflag:s22] =	ssyncset.done $0x0  }
0x5e: {  	s30 =	simm.s32 $0x0;
	[sflag:s22] =	ssyncadd.s32 $0xFFFFC000  }
0x5f: {  	v3 =	vld [tilespmem:s30+$0x5000]  }
0x60: {  	v5 =	vld [tilespmem:s30+$0x5010]  }
0x61: {  	v4 =	vld [tilespmem:s30+$0x5020]  }
0x62: {  	v2 =	vld [tilespmem:s30+$0x5030]  }
0x63: {  	v1 =	vld [tilespmem:s30+$0x5040]  }
0x64: {  	v6 =	vmax.f32 v3, $0.0e+00;
	v3 =	vld [tilespmem:s30+$0x5050]  }
0x65: {  	s31 =	simm.s32 $0x200;
	[tilespmem:s30+$0x5000] =	vst v6;
	v6 =	vmax.f32 v5, $0.0e+00;
	v5 =	vld [tilespmem:s30+$0x5060]  }
.LBB2_5:
0x66: {  	s0 =	sshra.s32 s31, $0x2;
	p1 =	sne.s32 s31, $0xFE00;
	[tilespmem:s30+$0x5010] =	vst v6;
	v4 =	vmax.f32 v4, $0.0e+00;
	v6 =	vld [tilespmem:s30+$0x5070]  }
0x67: {  	v7 =	vld [tilespmem:s0+$0x5000];
	[tilespmem:s30+$0x5020] =	vst v4;
	v2 =	vmax.f32 v2, $0.0e+00  }
0x68: {  	v8 =	vld [tilespmem:s0+$0x5010];
	[tilespmem:s30+$0x5030] =	vst v2;
	v1 =	vmax.f32 v1, $0.0e+00  }
.Ltmp1:
0x69: {  	v4 =	vld [tilespmem:s0+$0x5020];
	[tilespmem:s30+$0x5040] =	vst v1;
	v1 =	vmax.f32 v3, $0.0e+00;
	(pc) =	sbr.rel @p1 .LBB2_5-.Ltmp1, $4  }
0x6a: {  	v2 =	vld [tilespmem:s0+$0x5030];
	[tilespmem:s30+$0x5050] =	vst v1;
	v3 =	vmax.f32 v5, $0.0e+00  }
0x6b: {  	v1 =	vld [tilespmem:s0+$0x5040];
	[tilespmem:s30+$0x5060] =	vst v3;
	v5 =	vmax.f32 v6, $0.0e+00  }
0x6c: {  	v6 =	vmax.f32 v7, $0.0e+00;
	v3 =	vld [tilespmem:s0+$0x5050];
	[tilespmem:s30+$0x5070] =	vst v5;
	s30 =	smov.u32 s0  }
0x6d: {  	s31 =	sadd.s32 $0x200, s31;
	[tilespmem:s30+$0x5000] =	vst v6;
	v6 =	vmax.f32 v8, $0.0e+00;
	v5 =	vld [tilespmem:s30+$0x5060]  }
0x6e: {  	[tilespmem:s30+$0x5010] =	vst v6;
	v4 =	vmax.f32 v4, $0.0e+00;
	v63 =	vld [tilespmem:s30+$0x5070]  }
0x6f: {  	[tilespmem:s30+$0x5020] =	vst v4;
	v2 =	vmax.f32 v2, $0.0e+00  }
0x70: {  	[tilespmem:s30+$0x5030] =	vst v2;
	v1 =	vmax.f32 v1, $0.0e+00  }
0x71: {  	[tilespmem:s30+$0x5040] =	vst v1;
	v1 =	vmax.f32 v3, $0.0e+00  }
0x72: {  	s28 =	sadd.s32 $0x1, s28;
	[tilespmem:s30+$0x5050] =	vst v1;
	v1 =	vmax.f32 v5, $0.0e+00  }
0x73: {  	p1 =	sne.s32 s28, $0x4F;
	[tilespmem:s30+$0x5060] =	vst v1;
	v1 =	vmax.f32 v63, $0.0e+00  }
.Ltmp2:
0x74: {  	s0 =	sadd.s32 $0x2800, s29;
	[tilespmem:s30+$0x5070] =	vst v1;
	(pc) =	sbr.rel @p1 .LBB2_4-.Ltmp2, $4  }
0x75: {  	[spmem:s2] =	stream.indirect.scatter.add.f32 [tilespmem:s24], [sflag:$0x1], $0x80, s0, s25, $0xb8;
	[tilespmem:$0x1C8C0] =	vst v63  }
0x76: {  	_ =	swait.ge [sflag:s22], $0x4000  }
0x77: {  	[sflag:s22] =	ssyncset.done $0x0  }
0x78: {  	[sflag:s22] =	ssyncadd.s32 $0xFFFFC000  }
0x79: {  	[bflag:$0x0] =	sbarrier.arrive $0xFFFF;
	s0 =	sshrl.u32 @p0 s10, $0x3;
	s26 =	simm.s32 @p0 $0x1FC1  }
0x7a: {  	[hbm:s20], [sflag:s26] =	dma.local @p0 [spmem:s0], $0x2100  }
0x7b: {  	s0 =	simm.s32 @p0 $0x1  }
0x7c: {  	s3 =	sadd.s32 $0x1, s3;
	_ =	swait.ge @p0 [sflag:s0], $0x2100  }
0x7d: {  	s26 =	sshll.u32 @!p0 s1, $0x6;
	p1 =	sne.s32 s3, s21;
	[sflag:s0] =	ssyncset.done @p0 $0x0  }
0x7e: {  	[sflag:s0] =	ssyncadd.s32 @p0 $0xFFFFDF00;
	s0 =	sor.u32 @!p0 $0x1C01, s26;
	s26 =	sshrl.u32 @!p0 s6, $0x3  }
0x7f: {  	[hbm:s19], [sflag:s0] =	dma.local @!p0 [spmem:s26], $0x2780  }
.Ltmp3:
0x80: {  	_ = 	snop;
	(pc) =	sbr.rel @p1 .LBB2_1-.Ltmp3, $4  }
0x81: {  	s0 =	simm.s32 @!p0 $0x1  }
0x82: {  	_ =	swait.ge @!p0 [sflag:s0], $0x2780  }
0x83: {  	[sflag:s0] =	ssyncset.done @!p0 $0x0  }
0x84: {  	[sflag:s0] =	ssyncadd.s32 @!p0 $0xFFFFD880  }
0x85: {  	_ =	sfence.sel $0x180000  }
0x86: {  	[bflag:$0x0] =	sbarrier.arrive $0xFFFF  }
0x87: {  	_ =	strace $0x9000004A  }
0x88: {  	[bflag:$0x2] =	sbarrier.arrive $0xFFFF  }
0x89: {  	p0 =	sne.s32 s1, $0x0;
	s0 =	rddreg [dreg:$0x2]  }
0x8a: {  	s0 =	sadd.s32 @!p0 $0x100000, s0  }
0x8b: {  	[sflag:s0] =	ssyncadd.tile.s32 @!p0 $0x1;
	_ =	shalt  }
.Lfunc_end2:
_tile_overlayer_lowered:
.L_overlay_start_2:
0x8c: {  	(tag) =	ssettag $0x2  }
0x8d: {  	s0 =	rddreg [dreg:$0x0];
	s2 =	stileid.u32  }
0x8e: {  	s1 =	rddreg [dreg:$0x1];
	p0 =	sne.s32 s2, $0x0  }
0x8f: {  	s3 =	rddreg [dreg:$0x2];
	[bflag:$0x3] =	sbarrier.arrive $0xFFFF;
	s2 =	simm.s32 @!p0 $0x1C01  }
0x90: {  	[timem:s3], [sflag:s2] =	dma.local @!p0 [hbm:s0], s1  }
0x91: {  	s0 =	simm.s32 @!p0 $0x1  }
0x92: {  	_ =	swait.ge @!p0 [sflag:s0], s1  }
0x93: {  	s1 =	ssub.s32 @!p0 $0x0, s1;
	[sflag:s0] =	ssyncset.done @!p0 $0x0  }
0x94: {  	[sflag:s0] =	ssyncadd.s32 @!p0 s1  }
0x95: {  	[bflag:$0x3] =	sbarrier.arrive $0xFFFF  }
0x96: {  	_ =	shalt  }

// kernel: kernel.7.cloned.1.call-start
scs
__scs_entry_jumppad:
0x0: {  	(pc) =	sbr.rel $0x88, $3  }
0x1: {  	(tag) =	ssettag $0x0;
	lr =	simm.s32 $0x1  }
0x2: {  	[smem:$0x3F88] =	sst lr;
	_ =	strace $0xD0000000  }
0x3: {  	_ = 	snop  }
0x4: {  	_ = 	snop  }
0x5: {  	_ = 	snop  }
0x6: {  	_ = 	snop  }
0x7: {  	_ = 	snop  }
__scs_overlays_trampoline_lowered:
0x8: {  	[smem:$0x3F97] =	sst s0  }
0x9: {  	[smem:$0x3F98] =	sst s1  }
0xa: {  	[smem:$0x3F99] =	sst s2  }
0xb: {  	[smem:$0x3F9A] =	sst s3  }
0xc: {  	[smem:$0x3F9B] =	sst s4  }
0xd: {  	[smem:$0x3F9C] =	sst s5  }
0xe: {  	[smem:$0x3F9D] =	sst s6  }
0xf: {  	[smem:$0x3F9E] =	sst s7  }
0x10: {  	[smem:$0x3F9F] =	sst s8  }
0x11: {  	[smem:$0x3FA0] =	sst s9;
	s0 =	simm.s32 @!p0 $0x0  }
0x12: {  	s1 =	sld [smem:$0x3F86];
	s0 =	simm.s32 @p0 $0x1  }
0x13: {  	[smem:$0x3FA1] =	sst s0;
	s0 =	simm.s32 @!p1 $0x0  }
0x14: {  	s2 =	sld [smem:$0x3F85];
	s0 =	simm.s32 @p1 $0x1  }
0x15: {  	[smem:$0x3FA2] =	sst s0;
	s0 =	simm.s32 @!p2 $0x0  }
0x16: {  	s3 =	sld [smem:$0x3FDB];
	s0 =	simm.s32 @p2 $0x1  }
0x17: {  	s4 =	simm.s32 $0x1BF5;
	[smem:$0x3FA4] =	sst s0  }
0x18: {  	s0 =	sld [smem:$0x3F87];
	_ =	swait.ge [sflag:s4], $0x0  }
0x19: {  	s7 =	sld [smem:$0x3F88]  }
0x1a: {  	s8 =	sadd.s32 $0xFFFFE003, lr  }
0x1b: {  	s9 =	sadd.s32 $0xFFFFFEF7, lr;
	s5 =	simm.s32 $0xFFFFFFFF;
	p2 =	slt.u32 s8, $0xFFFFF086  }
0x1c: {  	p1 =	slt.u32 s9, $0xF7A;
	s5 =	simm.s32 @!p2 $0x0  }
0x1d: {  	s5 =	simm.s32 @p1 $0x1;
	p0 =	seq.s32 s7, s2  }
0x1e: {  	s7 =	smul.u32 @!p0 $0xF7A, s2;
	p2 =	seq.s32 @!p0 s5, $0x0  }
0x1f: {  	s9 =	smul.u32 $0xF7A, s1;
	s8 =	simm.s32 @!p0 $0x1BF5;
	p2 =	por !p2, p0  }
0x20: {  	[sflag:s8] =	ssyncset.s32 @!p0 $0xFFFFF086;
	s6 =	sadd.s32 @!p0 s3, s7;
	s7 =	simm.s32 @!p0 $0x108  }
0x21: {  	s3 =	sadd.s32 s3, s9;
	s6 =	sadd.s32 @!p0 $0x88, s6;
	s7 =	simm.s32 @p2 $0x1082  }
0x22: {  	[simem:s7], [sflag:s8] =	dma.local @!p0 [hbm:s6], $0xF7A  }
0x23: {  	s9 =	sor.u32 $0xD0000000, s2;
	s6 =	simm.s32 $0x108;
	_ =	swait.ge @!p0 [sflag:s8], $0x0  }
0x24: {  	s3 =	sadd.s32 $0x88, s3;
	s6 =	simm.s32 @!p1 $0x1082;
	[sflag:s4] =	ssyncset.s32 $0xFFFFF086  }
0x25: {  	[simem:s6], [sflag:s4] =	dma.local [hbm:s3], $0xF7A  }
0x26: {  	[smem:$0x3F88] =	sst s1;
	(tag) =	ssettag s2;
	_ =	strace s9  }
0x27: {  	s1 =	sld [smem:$0x3F98]  }
0x28: {  	s2 =	sld [smem:$0x3F99]  }
0x29: {  	s4 =	sld [smem:$0x3F9B]  }
0x2a: {  	p0 =	seq.s32 s5, $0x0;
	s5 =	sld [smem:$0x3F9C]  }
0x2b: {  	s6 =	sld [smem:$0x3F9D]  }
0x2c: {  	s7 =	sld [smem:$0x3F9E]  }
0x2d: {  	s3 =	simm.s32 $0x108;
	s8 =	sld [smem:$0x3F9F]  }
0x2e: {  	s3 =	simm.s32 @!p0 $0x1082;
	s9 =	sld [smem:$0x3FA0]  }
0x2f: {  	lr =	sadd.s32 s0, s3;
	s0 =	sld [smem:$0x3F97]  }
0x30: {  	s3 =	sld [smem:$0x3F9A]  }
0x31: {  	[smem:$0x3FA3] =	sst s10  }
0x32: {  	s10 =	sld [smem:$0x3FA1];
	_ =	sdelay $0x3  }
0x33: {  	p0 =	seq.s32 s10, $0x1;
	s10 =	sld [smem:$0x3FA3];
	_ =	sdelay $0x3  }
0x34: {  	[smem:$0x3FA3] =	sst s10  }
0x35: {  	s10 =	sld [smem:$0x3FA2];
	_ =	sdelay $0x3  }
0x36: {  	p1 =	seq.s32 s10, $0x1;
	s10 =	sld [smem:$0x3FA3];
	_ =	sdelay $0x3  }
0x37: {  	[smem:$0x3FA3] =	sst s10  }
0x38: {  	s10 =	sld [smem:$0x3FA4]  }
0x39: {  	_ = 	snop;
	(pc) =	sbr.ind lr, $3  }
0x3a: {  	_ = 	snop  }
0x3b: {  	_ = 	snop  }
0x3c: {  	p2 =	seq.s32 s10, $0x1;
	s10 =	sld [smem:$0x3FA3]  }
0x3d: {  	_ =	shalt  }
0x3e: {  	_ =	shalt  }
0x3f: {  	_ =	shalt  }
0x40: {  	_ =	shalt  }
0x41: {  	_ =	shalt  }
0x42: {  	_ =	shalt  }
0x43: {  	_ =	shalt  }
0x44: {  	_ =	shalt  }
0x45: {  	_ =	shalt  }
0x46: {  	_ =	shalt  }
0x47: {  	_ =	shalt  }
0x48: {  	_ =	shalt  }
0x49: {  	_ =	shalt  }
0x4a: {  	_ =	shalt  }
0x4b: {  	_ =	shalt  }
0x4c: {  	_ =	shalt  }
0x4d: {  	_ =	shalt  }
0x4e: {  	_ =	shalt  }
0x4f: {  	_ =	shalt  }
0x50: {  	_ =	shalt  }
0x51: {  	_ =	shalt  }
0x52: {  	_ =	shalt  }
0x53: {  	_ =	shalt  }
0x54: {  	_ =	shalt  }
0x55: {  	_ =	shalt  }
0x56: {  	_ =	shalt  }
0x57: {  	_ =	shalt  }
0x58: {  	_ =	shalt  }
0x59: {  	_ =	shalt  }
0x5a: {  	_ =	shalt  }
0x5b: {  	_ =	shalt  }
0x5c: {  	_ =	shalt  }
0x5d: {  	_ =	shalt  }
0x5e: {  	_ =	shalt  }
0x5f: {  	_ =	shalt  }
0x60: {  	_ =	shalt  }
0x61: {  	_ =	shalt  }
0x62: {  	_ =	shalt  }
0x63: {  	_ =	shalt  }
0x64: {  	_ =	shalt  }
0x65: {  	_ =	shalt  }
0x66: {  	_ =	shalt  }
0x67: {  	_ =	shalt  }
0x68: {  	_ =	shalt  }
0x69: {  	_ =	shalt  }
0x6a: {  	_ =	shalt  }
0x6b: {  	_ =	shalt  }
0x6c: {  	_ =	shalt  }
0x6d: {  	_ =	shalt  }
0x6e: {  	_ =	shalt  }
0x6f: {  	_ =	shalt  }
0x70: {  	_ =	shalt  }
0x71: {  	_ =	shalt  }
0x72: {  	_ =	shalt  }
0x73: {  	_ =	shalt  }
0x74: {  	_ =	shalt  }
0x75: {  	_ =	shalt  }
0x76: {  	_ =	shalt  }
0x77: {  	_ =	shalt  }
0x78: {  	_ =	shalt  }
0x79: {  	_ =	shalt  }
0x7a: {  	_ =	shalt  }
0x7b: {  	_ =	shalt  }
0x7c: {  	_ =	shalt  }
0x7d: {  	_ =	shalt  }
0x7e: {  	_ =	shalt  }
0x7f: {  	_ =	shalt  }
0x80: {  	_ =	shalt  }
0x81: {  	_ =	shalt  }
0x82: {  	_ =	shalt  }
0x83: {  	_ =	shalt  }
0x84: {  	_ =	shalt  }
0x85: {  	_ =	shalt  }
0x86: {  	_ =	shalt  }
0x87: {  	_ =	shalt  }
.Lfunc_end0:
.L_simem_size_0:
called_computation_lowered:
.L_overlay_start_0:
0x88: {  	s2 =	sld [smem:$0x3FD9]  }
0x89: {  	s3 =	sld [smem:$0x3FFE];
	_ =	sdelay $0x1  }
0x8a: {  	s1 =	srdreg.scid  }
0x8b: {  	s0 =	sand.u32 $0x1, s1  }
0x8c: {  	s17 =	sshll.u32 s0, $0xA;
	s2 =	sadd.s32 s3, s2  }
0x8d: {  	s2 =	sadd.s32 s2, s17  }
0x8e: {  	[smem:$0x3FAF] =	sst s2  }
0x8f: {  	_ = 	snop  }
0x90: {  	s2 =	sld [smem:$0x3FC9];
	(tm) =	ssettm $0x1  }
0x91: {  	s18 =	sld [smem:$0x3FFB];
	_ =	sdelay $0x3  }
0x92: {  	_ =	strace s18  }
0x93: {  	s3 =	sld [smem:$0x3FFC];
	_ =	sdelay $0x3  }
0x94: {  	_ =	strace s3  }
0x95: {  	s3 =	sld [smem:$0x3FFD];
	_ =	sdelay $0x3  }
0x96: {  	_ =	strace s3  }
0x97: {  	_ =	strace $0x8FFFFFFF  }
0x98: {  	s19 =	sld [smem:$0x3FDB];
	_ =	sdelay $0x1  }
0x99: {  	s4 =	simm.s32 $_scs_section_size  }
0x9a: {  	s5 =	simm.s32 $_size__tile_overlayer_lowered;
	s6 =	simm.s32 $_tile_overlayer_lowered  }
0x9b: {  	s22 =	simm.s32 $0x1BFF;
	s21 =	sshll.u32 s6, $0x1;
	s3 =	sadd.s32 s4, s19  }
0x9c: {  	s7 =	simm.s32 $0x0;
	s20 =	sshll.u32 s5, $0x1;
	s5 =	sadd.s32 s21, s3  }
0x9d: {  	[timem:s7], [sflag:s22] =	dma.local [hbm:s5], s20  }
0x9e: {  	_ =	swait.ge [sflag:s22], s20  }
0x9f: {  	s4 =	ssub.s32 $0x0, s20;
	[sflag:s22] =	ssyncset.done $0x0  }
0xa0: {  	[sflag:s22] =	ssyncadd.s32 s4;
	_ =	sdelay $0x1  }
0xa1: {  	s23 =	simm.s32 $0x1B8B  }
0xa2: {  	_ =	swait.ge [sflag:s23], $0x1  }
0xa3: {  	[sflag:s23] =	ssyncset.done $0x0  }
0xa4: {  	s25 =	simm.s32 $0x1B8E;
	s24 =	sld [smem:$0x3FFE];
	[sflag:s23] =	ssyncadd.s32 $0xFFFFFFFF  }
0xa5: {  	s26 =	simm.s32 $execute0_lowered;
	[smem:$0x3FD2] =	sst s25  }
0xa6: {  	s5 =	sshll.u32 s26, $0x1;
	_ =	strace $0x80000046;
	[dreg:$0x1] =	wrdreg $0xFFFFFFFF  }
0xa7: {  	s28 =	simm.s32 $_size_execute0_lowered;
	s3 =	sadd.s32 s3, s5;
	[dreg:$0x0] =	wrdreg $0x0  }
0xa8: {  	s5 =	sshll.u32 s28, $0x1;
	[dreg:$0x2] =	wrdreg s3  }
0xa9: {  	[dreg:$0x3] =	wrdreg s5  }
0xaa: {  	[dreg:$0x4] =	wrdreg $0xC0  }
0xab: {  	_ =	task [dreg:s7], $0x5FFFF  }
0xac: {  	[dreg:$0x1] =	wrdreg $0xFFFFFFFF  }
0xad: {  	[dreg:$0x0] =	wrdreg $0x60  }
0xae: {  	[dreg:$0x2] =	wrdreg s2  }
0xaf: {  	[dreg:$0x3] =	wrdreg s24  }
0xb0: {  	[dreg:$0x4] =	wrdreg $0x90000  }
0xb1: {  	[dreg:$0x5] =	wrdreg $0x9  }
0xb2: {  	_ =	task.clear_ibuf [dreg:s7], $0x6FFFF;
	_ =	strace $0x90000046  }
0xb3: {  	s29 =	simm.s32 $0x9;
	_ =	strace $0x80000048  }
0xb4: {  	_ =	swait.ge [sflag:s29], $0x1  }
0xb5: {  	[sflag:s29] =	ssyncadd.s32 $0xFFFFFFFF  }
0xb6: {  	_ =	strace $0x90000048  }
0xb7: {  	_ =	sfence  }
0xb8: {  	s30 =	sld [smem:$0x0];
	_ =	sdelay $0x2  }
0xb9: {  	s31 =	sshll.u32 s1, $0xD;
	s1 =	sshrl.u32 s1, $0x2  }
0xba: {  	s3 =	sand.u32 $0x4000, s31;
	s1 =	sadd.s32 s1, s30  }
0xbb: {  	s0 =	sor.u32 s3, s0;
	s1 =	sshll.u32 s1, $0x11  }
0xbc: {  	s0 =	sor.u32 s1, s0  }
0xbd: {  	s0 =	sadd.s32 $0x8F2B, s0  }
0xbe: {  	[sflag:s0] =	ssyncadd.remote.s32 $0x1  }
0xbf: {  	_ =	sfence.sel $0xFFFF  }
0xc0: {  	[dreg:$0x0] =	wrdreg $0xFFFFFFFF;
	(pc) =	sbr.abs _section_cstart, $3  }
0xc1: {  	[dreg:$0x1] =	wrdreg $0xFFFFFFFF  }
0xc2: {  	_ =	task.clear_ibuf [dreg:s7], $0x2FFFF;
	_ =	strace $0x9FFFFFFF  }
0xc3: {  	(tm) =	ssettm $0x7FFFFFFF  }
tec
execute0_lowered:
.L_overlay_start_1:
0x0: {  	(tag) =	ssettag $0x1  }
0x1: {  	s1 =	rddreg [dreg:$0x0]  }
0x2: {  	s7 =	rddreg [dreg:$0x1];
	s0 =	srdreg.scid  }
0x3: {  	s3 =	rddreg [dreg:$0x2];
	s2 =	stileid.u32  }
0x4: {  	s4 =	simm.s32 $0x0;
	s23 =	simm.s32 $0x2800;
	s24 =	simm.s32 $0x5000  }
0x5: {  	s25 =	simm.s32 $0x80;
	s31 =	smul.u32 $0x4F000, s2;
	[smem:$0x7FF] =	sst s4  }
0x6: {  	s12 =	sand.u32 $0x1, s0;
	s10 =	sadd.s32 $0x128400, s3;
	s11 =	sadd.s32 $0x12C400, s3  }
0x7: {  	s19 =	sadd.s32 $0x3C00, s7;
	s13 =	sadd.s32 $0x130400, s3;
	s21 =	smul.u32 $0x13C00, s2  }
0x8: {  	p0 =	seq.s32 s2, $0xF;
	s5 =	sshll.u32 s12, $0x4;
	_ =	strace $0x80000047  }
0x9: {  	s14 =	ssub.s32 $0x2, s12;
	s20 =	smul.u32 $0x138C00, s12;
	s18 =	sor.u32 s2, s5  }
0xa: {  	s8 =	sshrl.u32 s31, $0x2;
	s5 =	sadd.s32 $0x9E9C00, s7;
	s15 =	sshrl.u32 s14, $0x1  }
0xb: {  	s6 =	smul.u32 $0x500, s18;
	s22 =	ssub.s32 s14, s15;
	s14 =	sadd.s32 $0x134400, s3  }
0xc: {  	s15 =	sadd.s32 $0x138400, s3;
	s21 =	sadd.s32 s21, s20;
	s20 =	sshrl.u32 s20, $0x3  }
0xd: {  	s18 =	smul.u32 $0x2780, s18;
	s21 =	sshrl.u32 s21, $0x3;
	s20 =	sadd.s32 s19, s20  }
0xe: {  	s17 =	sadd.s32 s6, s7;
	s6 =	sadd.s32 s8, s3;
	s19 =	sadd.s32 s19, s21  }
0xf: {  	s20 =	sadd.s32 $0x25080, s20;
	s21 =	smax.u32 s22, $0x1;
	s7 =	sadd.s32 $0x4000, s6  }
0x10: {  	s8 =	sadd.s32 $0x8000, s6;
	s9 =	sadd.s32 $0xC000, s6;
	s12 =	sadd.s32 $0x10000, s6  }
0x11: {  	v0 =	vimm.f32 $0.0e+00;
	s22 =	simm.s32 $0x1;
	s16 =	sadd.s32 $0x4E5C00, s17;
	s17 =	sadd.s32 $0x4EFC00, s17  }
.LBB2_1:
0x12: {  	s26 =	simm.s32 $0x0;
	s28 =	simm.s32 $0x200  }
.LBB2_2:
0x13: {  	p1 =	sne.s32 s28, $0xFE00;
	[tilespmem:s26+$0x5070] =	vst v0  }
0x14: {  	[tilespmem:s26+$0x5000] =	vst v0  }
0x15: {  	[tilespmem:s26+$0x5010] =	vst v0  }
.Ltmp0:
0x16: {  	[tilespmem:s26+$0x5020] =	vst v0;
	(pc) =	sbr.rel @p1 .LBB2_2-.Ltmp0, $4  }
0x17: {  	[tilespmem:s26+$0x5030] =	vst v0  }
0x18: {  	[tilespmem:s26+$0x5040] =	vst v0  }
0x19: {  	[tilespmem:s26+$0x5050] =	vst v0  }
0x1a: {  	[tilespmem:s26+$0x5060] =	vst v0;
	s26 =	sshra.s32 s28, $0x2;
	s28 =	sadd.s32 $0x200, s28  }
0x1b: {  	[tilespmem:s26+$0x5070] =	vst v0  }
0x1c: {  	[tilespmem:s26+$0x5000] =	vst v0  }
0x1d: {  	[tilespmem:s26+$0x5010] =	vst v0  }
0x1e: {  	[tilespmem:s26+$0x5020] =	vst v0  }
0x1f: {  	[tilespmem:s26+$0x5030] =	vst v0  }
0x20: {  	[tilespmem:s26+$0x5040] =	vst v0  }
0x21: {  	[tilespmem:s26+$0x5050] =	vst v0  }
0x22: {  	[tilespmem:s26+$0x5060] =	vst v0;
	s26 =	simm.s32 @p0 $0x5000;
	s28 =	simm.s32 @p0 $0x1  }
0x23: {  	[spmem:s10] =	stream.linear.scatter @p0 [tilespmem:s26], [sflag:$0x1], $0x4000, $0x38;
	[tilespmem:$0x1C8C0] =	vst v63  }
0x24: {  	_ =	swait.ge @p0 [sflag:s28], $0x4000  }
0x25: {  	[sflag:s28] =	ssyncset.done @p0 $0x0  }
0x26: {  	[sflag:s28] =	ssyncadd.s32 @p0 $0xFFFFC000  }
0x27: {  	[spmem:s11] =	stream.linear.scatter @p0 [tilespmem:s26], [sflag:$0x1], $0x4000, $0x38;
	[tilespmem:$0x1C8C0] =	vst v63  }
0x28: {  	_ =	swait.ge @p0 [sflag:s28], $0x4000  }
0x29: {  	[sflag:s28] =	ssyncset.done @p0 $0x0  }
0x2a: {  	[sflag:s28] =	ssyncadd.s32 @p0 $0xFFFFC000  }
0x2b: {  	[spmem:s13] =	stream.linear.scatter @p0 [tilespmem:s26], [sflag:$0x1], $0x4000, $0x38;
	[tilespmem:$0x1C8C0] =	vst v63  }
0x2c: {  	_ =	swait.ge @p0 [sflag:s28], $0x4000  }
0x2d: {  	[sflag:s28] =	ssyncset.done @p0 $0x0  }
0x2e: {  	[sflag:s28] =	ssyncadd.s32 @p0 $0xFFFFC000  }
0x2f: {  	[spmem:s14] =	stream.linear.scatter @p0 [tilespmem:s26], [sflag:$0x1], $0x4000, $0x38;
	[tilespmem:$0x1C8C0] =	vst v63  }
0x30: {  	_ =	swait.ge @p0 [sflag:s28], $0x4000  }
0x31: {  	[sflag:s28] =	ssyncset.done @p0 $0x0  }
0x32: {  	[sflag:s28] =	ssyncadd.s32 @p0 $0xFFFFC000  }
0x33: {  	[spmem:s15] =	stream.linear.scatter @p0 [tilespmem:s26], [sflag:$0x1], $0x800, $0x38;
	[tilespmem:$0x1C8C0] =	vst v63  }
0x34: {  	_ =	swait.ge @p0 [sflag:s28], $0x800  }
0x35: {  	[sflag:s28] =	ssyncset.done @p0 $0x0  }
0x36: {  	s26 =	simm.s32 @!p0 $0x5000;
	[sflag:s28] =	ssyncadd.s32 @p0 $0xFFFFF800;
	s28 =	simm.s32 @!p0 $0x1  }
0x37: {  	[spmem:s6] =	stream.linear.scatter @!p0 [tilespmem:s26], [sflag:$0x1], $0x4000, $0x38;
	[tilespmem:$0x1C8C0] =	vst v63  }
0x38: {  	_ =	swait.ge @!p0 [sflag:s28], $0x4000  }
0x39: {  	[sflag:s28] =	ssyncset.done @!p0 $0x0  }
0x3a: {  	[sflag:s28] =	ssyncadd.s32 @!p0 $0xFFFFC000  }
0x3b: {  	[spmem:s7] =	stream.linear.scatter @!p0 [tilespmem:s26], [sflag:$0x1], $0x4000, $0x38;
	[tilespmem:$0x1C8C0] =	vst v63  }
0x3c: {  	_ =	swait.ge @!p0 [sflag:s28], $0x4000  }
0x3d: {  	[sflag:s28] =	ssyncset.done @!p0 $0x0  }
0x3e: {  	[sflag:s28] =	ssyncadd.s32 @!p0 $0xFFFFC000  }
0x3f: {  	[spmem:s8] =	stream.linear.scatter @!p0 [tilespmem:s26], [sflag:$0x1], $0x4000, $0x38;
	[tilespmem:$0x1C8C0] =	vst v63  }
0x40: {  	_ =	swait.ge @!p0 [sflag:s28], $0x4000  }
0x41: {  	[sflag:s28] =	ssyncset.done @!p0 $0x0  }
0x42: {  	[sflag:s28] =	ssyncadd.s32 @!p0 $0xFFFFC000  }
0x43: {  	[spmem:s9] =	stream.linear.scatter @!p0 [tilespmem:s26], [sflag:$0x1], $0x4000, $0x38;
	[tilespmem:$0x1C8C0] =	vst v63  }
0x44: {  	_ =	swait.ge @!p0 [sflag:s28], $0x4000  }
0x45: {  	[sflag:s28] =	ssyncset.done @!p0 $0x0  }
0x46: {  	[sflag:s28] =	ssyncadd.s32 @!p0 $0xFFFFC000  }
0x47: {  	[spmem:s12] =	stream.linear.scatter @!p0 [tilespmem:s26], [sflag:$0x1], $0x3C00, $0x38;
	[tilespmem:$0x1C8C0] =	vst v63  }
0x48: {  	_ =	swait.ge @!p0 [sflag:s28], $0x3C00  }
0x49: {  	[sflag:s28] =	ssyncset.done @!p0 $0x0  }
0x4a: {  	s26 =	simm.s32 $0x0;
	[sflag:s28] =	ssyncadd.s32 @!p0 $0xFFFFC400  }
0x4b: {  	[tilespmem:s26], [sflag:$0x1] =	stream.linear.gather [hbm4b:s16+s26], $0x2780, $0x38;
	[tilespmem:$0x1C8C0] =	vst v63  }
0x4c: {  	_ =	swait.ge [sflag:s22], $0x2780  }
0x4d: {  	[sflag:s22] =	ssyncset.done $0x0  }
0x4e: {  	[sflag:s22] =	ssyncadd.s32 $0xFFFFD880  }
0x4f: {  	[tilespmem:s23], [sflag:$0x1] =	stream.linear.gather [hbm4b:s17+s26], $0x2780, $0x38;
	[tilespmem:$0x1C8C0] =	vst v63  }
0x50: {  	_ =	swait.ge [sflag:s22], $0x2780  }
0x51: {  	[sflag:s22] =	ssyncset.done $0x0  }
0x52: {  	[sflag:s22] =	ssyncadd.s32 $0xFFFFD880  }
0x53: {  	s28 =	simm.s32 $0x0;
	[bflag:$0x0] =	sbarrier.arrive $0xFFFF  }
.LBB2_4:
0x54: {  	s29 =	sshll.u32 s28, $0x7  }
0x55: {  	s30 =	sadd.s32 s18, s29  }
0x56: {  	s30 =	sshll.u32 s30, $0x4  }
0x57: {  	s30 =	sadd.s32 s5, s30  }
0x58: {  	[tilespmem:s24], [sflag:$0x1] =	stream.linear.gather [hbm4b:s30+s26], $0x4000, $0x38;
	[tilespmem:$0x1C8C0] =	vst v63  }
0x59: {  	_ =	swait.ge [sflag:s22], $0x4000  }
0x5a: {  	[sflag:s22] =	ssyncset.done $0x0  }
0x5b: {  	[sflag:s22] =	ssyncadd.s32 $0xFFFFC000  }
0x5c: {  	[tilespmem:s24], [sflag:$0x1] =	stream.indirect.gather.add.f32 [hbm:s1], $0x80, s29, s25, $0xb8;
	[tilespmem:$0x1C8C0] =	vst v63  }
0x5d: {  	_ =	swait.ge [sflag:s22], $0x4000  }
0x5e: {  	[sflag:s22] =	ssyncset.done $0x0  }
0x5f: {  	s30 =	simm.s32 $0x0;
	[sflag:s22] =	ssyncadd.s32 $0xFFFFC000  }
0x60: {  	v3 =	vld [tilespmem:s30+$0x5000]  }
0x61: {  	v5 =	vld [tilespmem:s30+$0x5010]  }
0x62: {  	v4 =	vld [tilespmem:s30+$0x5020]  }
0x63: {  	v2 =	vld [tilespmem:s30+$0x5030]  }
0x64: {  	v1 =	vld [tilespmem:s30+$0x5040]  }
0x65: {  	v6 =	vmax.f32 v3, $0.0e+00;
	v3 =	vld [tilespmem:s30+$0x5050]  }
0x66: {  	s31 =	simm.s32 $0x200;
	[tilespmem:s30+$0x5000] =	vst v6;
	v6 =	vmax.f32 v5, $0.0e+00;
	v5 =	vld [tilespmem:s30+$0x5060]  }
.LBB2_5:
0x67: {  	s0 =	sshra.s32 s31, $0x2;
	p1 =	sne.s32 s31, $0xFE00;
	[tilespmem:s30+$0x5010] =	vst v6;
	v4 =	vmax.f32 v4, $0.0e+00;
	v6 =	vld [tilespmem:s30+$0x5070]  }
0x68: {  	v7 =	vld [tilespmem:s0+$0x5000];
	[tilespmem:s30+$0x5020] =	vst v4;
	v2 =	vmax.f32 v2, $0.0e+00  }
0x69: {  	v8 =	vld [tilespmem:s0+$0x5010];
	[tilespmem:s30+$0x5030] =	vst v2;
	v1 =	vmax.f32 v1, $0.0e+00  }
.Ltmp1:
0x6a: {  	v4 =	vld [tilespmem:s0+$0x5020];
	[tilespmem:s30+$0x5040] =	vst v1;
	v1 =	vmax.f32 v3, $0.0e+00;
	(pc) =	sbr.rel @p1 .LBB2_5-.Ltmp1, $4  }
0x6b: {  	v2 =	vld [tilespmem:s0+$0x5030];
	[tilespmem:s30+$0x5050] =	vst v1;
	v3 =	vmax.f32 v5, $0.0e+00  }
0x6c: {  	v1 =	vld [tilespmem:s0+$0x5040];
	[tilespmem:s30+$0x5060] =	vst v3;
	v5 =	vmax.f32 v6, $0.0e+00  }
0x6d: {  	v6 =	vmax.f32 v7, $0.0e+00;
	v3 =	vld [tilespmem:s0+$0x5050];
	[tilespmem:s30+$0x5070] =	vst v5;
	s30 =	smov.u32 s0  }
0x6e: {  	s31 =	sadd.s32 $0x200, s31;
	[tilespmem:s30+$0x5000] =	vst v6;
	v6 =	vmax.f32 v8, $0.0e+00;
	v5 =	vld [tilespmem:s30+$0x5060]  }
0x6f: {  	[tilespmem:s30+$0x5010] =	vst v6;
	v4 =	vmax.f32 v4, $0.0e+00;
	v63 =	vld [tilespmem:s30+$0x5070]  }
0x70: {  	[tilespmem:s30+$0x5020] =	vst v4;
	v2 =	vmax.f32 v2, $0.0e+00  }
0x71: {  	[tilespmem:s30+$0x5030] =	vst v2;
	v1 =	vmax.f32 v1, $0.0e+00  }
0x72: {  	[tilespmem:s30+$0x5040] =	vst v1;
	v1 =	vmax.f32 v3, $0.0e+00  }
0x73: {  	s28 =	sadd.s32 $0x1, s28;
	[tilespmem:s30+$0x5050] =	vst v1;
	v1 =	vmax.f32 v5, $0.0e+00  }
0x74: {  	p1 =	sne.s32 s28, $0x4F;
	[tilespmem:s30+$0x5060] =	vst v1;
	v1 =	vmax.f32 v63, $0.0e+00  }
.Ltmp2:
0x75: {  	s0 =	sadd.s32 $0x2800, s29;
	[tilespmem:s30+$0x5070] =	vst v1;
	(pc) =	sbr.rel @p1 .LBB2_4-.Ltmp2, $4  }
0x76: {  	[spmem:s3] =	stream.indirect.scatter.add.f32 [tilespmem:s24], [sflag:$0x1], $0x80, s0, s25, $0xb8;
	[tilespmem:$0x1C8C0] =	vst v63  }
0x77: {  	_ =	swait.ge [sflag:s22], $0x4000  }
0x78: {  	[sflag:s22] =	ssyncset.done $0x0  }
0x79: {  	[sflag:s22] =	ssyncadd.s32 $0xFFFFC000  }
0x7a: {  	[bflag:$0x0] =	sbarrier.arrive $0xFFFF;
	s0 =	sshrl.u32 @p0 s10, $0x3;
	s26 =	simm.s32 @p0 $0x1FC1  }
0x7b: {  	[hbm:s20], [sflag:s26] =	dma.local @p0 [spmem:s0], $0x2100  }
0x7c: {  	s0 =	simm.s32 @p0 $0x1  }
0x7d: {  	s4 =	sadd.s32 $0x1, s4;
	_ =	swait.ge @p0 [sflag:s0], $0x2100  }
0x7e: {  	s26 =	sshll.u32 @!p0 s2, $0x6;
	p1 =	sne.s32 s4, s21;
	[sflag:s0] =	ssyncset.done @p0 $0x0  }
0x7f: {  	[sflag:s0] =	ssyncadd.s32 @p0 $0xFFFFDF00;
	s0 =	sor.u32 @!p0 $0x1C01, s26;
	s26 =	sshrl.u32 @!p0 s6, $0x3  }
0x80: {  	[hbm:s19], [sflag:s0] =	dma.local @!p0 [spmem:s26], $0x2780  }
.Ltmp3:
0x81: {  	_ = 	snop;
	(pc) =	sbr.rel @p1 .LBB2_1-.Ltmp3, $4  }
0x82: {  	s0 =	simm.s32 @!p0 $0x1  }
0x83: {  	_ =	swait.ge @!p0 [sflag:s0], $0x2780  }
0x84: {  	[sflag:s0] =	ssyncset.done @!p0 $0x0  }
0x85: {  	[sflag:s0] =	ssyncadd.s32 @!p0 $0xFFFFD880  }
0x86: {  	_ =	sfence.sel $0x180000  }
0x87: {  	[bflag:$0x0] =	sbarrier.arrive $0xFFFF  }
0x88: {  	_ =	strace $0x90000047  }
0x89: {  	[bflag:$0x2] =	sbarrier.arrive $0xFFFF  }
0x8a: {  	p0 =	sne.s32 s2, $0x0;
	s0 =	rddreg [dreg:$0x3]  }
0x8b: {  	s0 =	sadd.s32 @!p0 $0x100000, s0  }
0x8c: {  	[sflag:s0] =	ssyncadd.tile.s32 @!p0 $0x1;
	_ =	shalt  }
.Lfunc_end2:
_tile_overlayer_lowered:
.L_overlay_start_2:
0x8d: {  	(tag) =	ssettag $0x2  }
0x8e: {  	s0 =	rddreg [dreg:$0x0];
	s2 =	stileid.u32  }
0x8f: {  	s1 =	rddreg [dreg:$0x1];
	p0 =	sne.s32 s2, $0x0  }
0x90: {  	s3 =	rddreg [dreg:$0x2];
	[bflag:$0x3] =	sbarrier.arrive $0xFFFF;
	s2 =	simm.s32 @!p0 $0x1C01  }
0x91: {  	[timem:s3], [sflag:s2] =	dma.local @!p0 [hbm:s0], s1  }
0x92: {  	s0 =	simm.s32 @!p0 $0x1  }
0x93: {  	_ =	swait.ge @!p0 [sflag:s0], s1  }
0x94: {  	s1 =	ssub.s32 @!p0 $0x0, s1;
	[sflag:s0] =	ssyncset.done @!p0 $0x0  }
0x95: {  	[sflag:s0] =	ssyncadd.s32 @!p0 s1  }
0x96: {  	[bflag:$0x3] =	sbarrier.arrive $0xFFFF  }
0x97: {  	_ =	shalt  }

</sc_bundles>
